<compile_context>
chip_gen: v7x
topology: tpu7x:2x2x1
jax: 0.10.2.dev20260603
libtpu: 0.0.44.dev20260713+nightly
codegen_flags: <defaults>
</compile_context>

<pallas_src>
import functools

import jax
import jax.numpy as jnp
from jax import lax
from jax.experimental import pallas as pl
from jax.experimental.pallas import tpu as pltpu
from jax.experimental.pallas import tpu_sc as plsc

N = 10000
E = 320000
G = 8
DE_IN = 16
DN = 128
DG = 128
L = 128
DE_OUT = 128

BN = 400
BE = 512

_I = False


def _ln_affine(h, g, beta):
    mu = jnp.mean(h, axis=-1, keepdims=True)
    var = jnp.mean((h - mu) ** 2, axis=-1, keepdims=True)
    return (h - mu) * lax.rsqrt(var + 1e-5) * g + beta


def _prep_body(x_ref, oh_ref, ga_ref, wr_ref, ws_ref, wg_ref, eb1_ref,
               nw1a_ref, nw1g_ref, nb1_ref, pr_ref, psp_ref, pnp_ref):
    x = x_ref[...]
    oh = oh_ref[...]
    ga = ga_ref[...]
    pg = jnp.dot(ga, wg_ref[...], preferred_element_type=jnp.float32) + eb1_ref[...]
    qg = jnp.dot(ga, nw1g_ref[...], preferred_element_type=jnp.float32) + nb1_ref[...]
    pr_ref[...] = jnp.dot(x, wr_ref[...], preferred_element_type=jnp.float32)
    psp_ref[...] = (jnp.dot(x, ws_ref[...], preferred_element_type=jnp.float32)
                    + jnp.dot(oh, pg, preferred_element_type=jnp.float32))
    pnp_ref[...] = (jnp.dot(x, nw1a_ref[...], preferred_element_type=jnp.float32)
                    + jnp.dot(oh, qg, preferred_element_type=jnp.float32))


def _prep(node_attr, onehot, ga, wr, ws, wg, eb1, nw1a, nw1g, nb1):
    nb = N // BN
    full = lambda shape: pl.BlockSpec(shape, lambda i: (0, 0))
    blk = lambda width: pl.BlockSpec((BN, width), lambda i: (i, 0))
    return pl.pallas_call(
        _prep_body,
        grid=(nb,),
        in_specs=[blk(DN), blk(G), full((G, DG)), full((DN, L)), full((DN, L)),
                  full((DG, L)), full((1, L)), full((DN, L)), full((DG, L)),
                  full((1, L))],
        out_specs=[blk(L), blk(L), blk(L)],
        out_shape=[jax.ShapeDtypeStruct((N, L), jnp.float32)] * 3,
        interpret=_I,
    )(node_attr, onehot, ga, wr, ws, wg, eb1, nw1a, nw1g, nb1)


def _edge_body(hr_ref, hs_ref, ea_ref, we_ref, ew2_ref, eb2_ref, eg_ref,
               ebt_ref, out_ref):
    h1 = (hr_ref[...] + hs_ref[...]
          + jnp.dot(ea_ref[...], we_ref[...], preferred_element_type=jnp.float32))
    h1 = jnp.maximum(h1, 0.0)
    h2 = jnp.dot(h1, ew2_ref[...], preferred_element_type=jnp.float32) + eb2_ref[...]
    h2 = jnp.maximum(h2, 0.0)
    out_ref[...] = _ln_affine(h2, eg_ref[...], ebt_ref[...])


def _edge_mlp(hr, hs, edge_attr, we, ew2, eb2, eg, ebt):
    nb = E // BE
    full = lambda shape: pl.BlockSpec(shape, lambda i: (0, 0))
    return pl.pallas_call(
        _edge_body,
        grid=(nb,),
        in_specs=[pl.BlockSpec((BE, L), lambda i: (i, 0)),
                  pl.BlockSpec((BE, L), lambda i: (i, 0)),
                  pl.BlockSpec((BE, DE_IN), lambda i: (i, 0)),
                  full((DE_IN, L)), full((L, DE_OUT)), full((1, DE_OUT)),
                  full((1, DE_OUT)), full((1, DE_OUT))],
        out_specs=pl.BlockSpec((BE, DE_OUT), lambda i: (i, 0)),
        out_shape=jax.ShapeDtypeStruct((E, DE_OUT), jnp.float32),
        interpret=_I,
    )(hr, hs, edge_attr, we, ew2, eb2, eg, ebt)


def _node_body(pnp_ref, scol_ref, srow_ref, deg_ref, oh_ref,
               nw1c_ref, nw1r_ref, nw2_ref, nb2_ref, ng_ref, nbt_ref,
               out_ref, macc_ref):
    h1 = (pnp_ref[...]
          + jnp.dot(scol_ref[...], nw1c_ref[...], preferred_element_type=jnp.float32)
          + jnp.dot(srow_ref[...], nw1r_ref[...], preferred_element_type=jnp.float32))
    h1 = jnp.maximum(h1, 0.0)
    h2 = jnp.dot(h1, nw2_ref[...], preferred_element_type=jnp.float32) + nb2_ref[...]
    h2 = jnp.maximum(h2, 0.0)
    out = _ln_affine(h2, ng_ref[...], nbt_ref[...])
    out_ref[...] = out
    cat = jnp.concatenate(
        [out, srow_ref[...], deg_ref[...], jnp.ones((BN, 16), jnp.float32)],
        axis=1)
    contrib = jnp.dot(oh_ref[...].T, cat, preferred_element_type=jnp.float32)

    @pl.when(pl.program_id(0) == 0)
    def _():
        macc_ref[...] = jnp.zeros_like(macc_ref)

    macc_ref[...] += contrib


def _node_mlp(pnp, scol, srow, deg, onehot, nw1c, nw1r, nw2, nb2, ng, nbt):
    nb = N // BN
    full = lambda shape: pl.BlockSpec(shape, lambda i: (0, 0))
    blk = lambda width: pl.BlockSpec((BN, width), lambda i: (i, 0))
    return pl.pallas_call(
        _node_body,
        grid=(nb,),
        in_specs=[blk(L), blk(DE_OUT), blk(DE_OUT), blk(16), blk(G),
                  full((DE_OUT, L)), full((DE_OUT, L)), full((L, DN)),
                  full((1, DN)), full((1, DN)), full((1, DN))],
        out_specs=[blk(DN), pl.BlockSpec((G, 288), lambda i: (0, 0))],
        out_shape=[jax.ShapeDtypeStruct((N, DN), jnp.float32),
                   jax.ShapeDtypeStruct((G, 288), jnp.float32)],
        interpret=_I,
    )(pnp, scol, srow, deg, onehot, nw1c, nw1r, nw2, nb2, ng, nbt)


def _glob_body(macc_ref, ga_ref, g1n_ref, g1e_ref, g1g_ref, gb1_ref,
               gw2_ref, gb2_ref, gg_ref, gbt_ref, out_ref):
    macc = macc_ref[...]
    n2g = macc[:, 0:128]
    e2g = macc[:, 128:256]
    ecnt = macc[:, 256:257]
    ncnt = macc[:, 272:273]
    n2g = n2g / jnp.maximum(ncnt, 1.0)
    e2g = e2g / jnp.maximum(ecnt, 1.0)
    h1 = (jnp.dot(n2g, g1n_ref[...], preferred_element_type=jnp.float32)
          + jnp.dot(e2g, g1e_ref[...], preferred_element_type=jnp.float32)
          + jnp.dot(ga_ref[...], g1g_ref[...], preferred_element_type=jnp.float32)
          + gb1_ref[...])
    h1 = jnp.maximum(h1, 0.0)
    h2 = jnp.dot(h1, gw2_ref[...], preferred_element_type=jnp.float32) + gb2_ref[...]
    h2 = jnp.maximum(h2, 0.0)
    out_ref[...] = _ln_affine(h2, gg_ref[...], gbt_ref[...])


def _glob_mlp(macc, ga, g1n, g1e, g1g, gb1, gw2, gb2, gg, gbt):
    return pl.pallas_call(
        _glob_body,
        out_shape=jax.ShapeDtypeStruct((G, DG), jnp.float32),
        interpret=_I,
    )(macc, ga, g1n, g1e, g1g, gb1, gw2, gb2, gg, gbt)


def _sc_gather(pr, psp, eidx):
    @functools.partial(
        pl.kernel,
        out_type=(jax.ShapeDtypeStruct((E, L), jnp.float32),
                  jax.ShapeDtypeStruct((E, L), jnp.float32)),
        mesh=_MESH,
        scratch_types=[
            pltpu.VMEM((KS, L), jnp.float32),
            pltpu.VMEM((KS,), jnp.int32),
            pltpu.VMEM((TS,), jnp.int32),
        ],
    )
    def k(pr_hbm, psp_hbm, eidx_hbm, hs_hbm, hr_hbm, ebuf, idxm, idxt):
        cid = lax.axis_index("c")
        sid = lax.axis_index("s")
        base = sid * EPS

        def body(j, carry):
            off = base + j * KS
            pltpu.sync_copy(eidx_hbm.at[pl.ds(cid * E + off, KS)], idxm)

            @pl.when(cid == 0)
            def _():
                pltpu.sync_copy(psp_hbm.at[idxm], ebuf)
                pltpu.sync_copy(ebuf, hs_hbm.at[pl.ds(off, KS)])

            @pl.when(cid == 1)
            def _():
                pltpu.sync_copy(pr_hbm.at[idxm], ebuf)
                pltpu.sync_copy(ebuf, hr_hbm.at[pl.ds(off, KS)])
            return carry

        lax.fori_loop(0, NCS, body, 0)
        offt = base + NCS * KS
        pltpu.sync_copy(eidx_hbm.at[pl.ds(cid * E + offt, TS)], idxt)

        @pl.when(cid == 0)
        def _():
            pltpu.sync_copy(psp_hbm.at[idxt], ebuf.at[pl.ds(0, TS)])
            pltpu.sync_copy(ebuf.at[pl.ds(0, TS)], hs_hbm.at[pl.ds(offt, TS)])

        @pl.when(cid == 1)
        def _():
            pltpu.sync_copy(pr_hbm.at[idxt], ebuf.at[pl.ds(0, TS)])
            pltpu.sync_copy(ebuf.at[pl.ds(0, TS)], hr_hbm.at[pl.ds(offt, TS)])

    return k(pr, psp, eidx)


_MESH = plsc.VectorSubcoreMesh(core_axis_name="c", subcore_axis_name="s")
NSUB = 16
EPS = E // NSUB
KS = 128
NCS = EPS // KS
TS = EPS - NCS * KS
NPAD = 10240
NPS = NPAD // NSUB


NP128 = NPAD // 128


def _sc_scatter(edge_new, eidx, zrow, iota80):
    @functools.partial(
        pl.kernel,
        out_type=(jax.ShapeDtypeStruct((NPAD, L), jnp.float32),
                  jax.ShapeDtypeStruct((NPAD, L), jnp.float32),
                  jax.ShapeDtypeStruct((NP128, 128), jnp.float32)),
        mesh=_MESH,
        scratch_types=[
            pltpu.VMEM((KS, L), jnp.float32),
            pltpu.VMEM((KS,), jnp.int32),
            pltpu.VMEM((TS,), jnp.int32),
            pltpu.VMEM((NP128, 128), jnp.float32),
            pltpu.VMEM((NP128,), jnp.int32),
            pltpu.VMEM_SHARED((NPAD, L), jnp.float32),
            pltpu.VMEM_SHARED((NP128, 128), jnp.float32),
        ],
        compiler_params=pltpu.CompilerParams(needs_layout_passes=False),
    )
    def k(edge_hbm, eidx_hbm, zrow_hbm, iota_hbm,
          srow_hbm, scol_hbm, degp_hbm, ebuf, idxm, idxt, pd, idx80,
          acc, dacc):
        cid = lax.axis_index("c")
        sid = lax.axis_index("s")
        r0 = sid * NPS
        mask127 = jnp.full((16,), 127, jnp.int32)
        one16 = jnp.full((16,), 1.0, jnp.float32)

        def _deg_accum(idx_ref, nrows):
            for i in range(nrows // 16):
                v = idx_ref[pl.ds(i * 16, 16)]
                hi = lax.shift_right_logical(v, 7)
                lo = lax.bitwise_and(v, mask127)
                plsc.addupdate_scatter(pd, [hi, lo], one16)

        pltpu.sync_copy(zrow_hbm, ebuf)

        def zbody(i, carry):
            pltpu.sync_copy(ebuf, acc.at[pl.ds(r0 + i * KS, KS)])
            return carry

        lax.fori_loop(0, NPS // KS, zbody, 0)

        @pl.when(cid == 0)
        def _():
            pltpu.sync_copy(zrow_hbm.at[pl.ds(0, NP128)], pd)
            pltpu.sync_copy(iota_hbm, idx80)

            @pl.when(sid == 0)
            def _():
                pltpu.sync_copy(zrow_hbm.at[pl.ds(0, NP128)],
                                dacc.at[pl.ds(0, NP128)])

        plsc.subcore_barrier()
        base = sid * EPS

        def body(j, carry):
            off = base + j * KS
            pltpu.sync_copy(eidx_hbm.at[pl.ds(cid * E + off, KS)], idxm)
            pltpu.sync_copy(edge_hbm.at[pl.ds(off, KS)], ebuf)
            pltpu.sync_copy(ebuf, acc.at[idxm], add=True)

            @pl.when(cid == 0)
            def _():
                _deg_accum(idxm, KS)
            return carry

        lax.fori_loop(0, NCS, body, 0)
        offt = base + NCS * KS
        pltpu.sync_copy(eidx_hbm.at[pl.ds(cid * E + offt, TS)], idxt)
        pltpu.sync_copy(edge_hbm.at[pl.ds(offt, TS)], ebuf.at[pl.ds(0, TS)])
        pltpu.sync_copy(ebuf.at[pl.ds(0, TS)], acc.at[idxt], add=True)

        @pl.when(cid == 0)
        def _():
            _deg_accum(idxt, TS)
            pltpu.sync_copy(pd, dacc.at[idx80], add=True)

        plsc.subcore_barrier()

        def wbody(i, carry):
            rr = r0 + i * KS
            pltpu.sync_copy(acc.at[pl.ds(rr, KS)], ebuf)

            @pl.when(cid == 0)
            def _():
                pltpu.sync_copy(ebuf, srow_hbm.at[pl.ds(rr, KS)])

            @pl.when(cid == 1)
            def _():
                pltpu.sync_copy(ebuf, scol_hbm.at[pl.ds(rr, KS)])
            return carry

        lax.fori_loop(0, NPS // KS, wbody, 0)

        @pl.when(jnp.logical_and(cid == 0, sid == 0))
        def _():
            pltpu.sync_copy(dacc.at[pl.ds(0, NP128)], ebuf.at[pl.ds(0, NP128)])
            pltpu.sync_copy(ebuf.at[pl.ds(0, NP128)], degp_hbm)

    return k(edge_new, eidx, zrow, iota80)


def _scatter_sums(edge_new, eidx):
    zrow = jnp.zeros((KS, L), jnp.float32)
    iota80 = jnp.arange(NP128, dtype=jnp.int32)
    srow, scol, degp = _sc_scatter(edge_new, eidx, zrow, iota80)
    deg = jnp.broadcast_to(degp.reshape(-1)[:N, None], (N, 16))
    return srow[:N], scol[:N], deg


def kernel(edge_attr, node_attr, global_attr, edge_index, batch,
           eW1, eb1, eW2, eb2, eg, ebt,
           nW1, nb1, nW2, nb2, ng, nbt,
           gW1, gb1, gW2, gb2, gg, gbt):
    onehot = (batch[:, None] == jnp.arange(G, dtype=jnp.int32)[None, :]
              ).astype(jnp.float32)

    wr = eW1[0:128]
    ws = eW1[128:256]
    we = eW1[256:272]
    wg = eW1[272:400]
    nw1a = nW1[0:128]
    nw1g = nW1[128:256]
    nw1c = nW1[256:384]
    nw1r = nW1[384:512]
    g1n = gW1[0:128]
    g1e = gW1[128:256]
    g1g = gW1[256:384]

    r2 = lambda v: v.reshape(1, -1)

    pr, psp, pnp = _prep(node_attr, onehot, global_attr, wr, ws, wg, r2(eb1),
                         nw1a, nw1g, r2(nb1))

    eflat = edge_index.reshape(-1)
    hs, hr = _sc_gather(pr, psp, eflat)
    edge_new = _edge_mlp(hr, hs, edge_attr, we, eW2, r2(eb2), r2(eg), r2(ebt))

    srow, scol, deg = _scatter_sums(edge_new, eflat)

    node_new, macc = _node_mlp(pnp, scol, srow, deg, onehot,
                               nw1c, nw1r, nW2, r2(nb2), r2(ng), r2(nbt))

    global_new = _glob_mlp(macc, global_attr, g1n, g1e, g1g, r2(gb1),
                           gW2, r2(gb2), r2(gg), r2(gbt))

    return (edge_new, node_new, global_new)

# --- scband reference (transcript-rebuilt; emitter-appended) ---
"""Pipeline reference for scband-graph-network-block-60696477827372 (READ-ONLY COPY).

The authoritative reference and input builder live on the scoring server;
editing this copy changes nothing except your own understanding.
"""

import jax, jax.numpy as jnp
import numpy as np

N = 10000
E = 320000
G = 8
DE_IN = 16
DN = 128
DG = 128
L = 128
DE_OUT = 128


def _mlp_params(key, din, latent, dout):
    k1, k2 = jax.random.split(key)
    W1 = jax.random.normal(k1, (din, latent), jnp.float32) / np.sqrt(din)
    b1 = jnp.zeros((latent,), jnp.float32)
    W2 = jax.random.normal(k2, (latent, dout), jnp.float32) / np.sqrt(latent)
    b2 = jnp.zeros((dout,), jnp.float32)
    g = jnp.ones((dout,), jnp.float32)
    beta = jnp.zeros((dout,), jnp.float32)
    return W1, b1, W2, b2, g, beta


def setup_inputs(seed: int = 0):
    key = jax.random.key(seed)
    ks = jax.random.split(key, 8)
    edge_attr = jax.random.normal(ks[0], (E, DE_IN), jnp.float32)
    node_attr = jax.random.normal(ks[1], (N, DN), jnp.float32)
    global_attr = jax.random.normal(ks[2], (G, DG), jnp.float32)
    edge_index = jax.random.randint(ks[3], (2, E), 0, N, jnp.int32)
    batch = jnp.sort(jax.random.randint(ks[4], (N,), 0, G, jnp.int32))
    eW1, eb1, eW2, eb2, eg, ebt = _mlp_params(ks[5], DN + DN + DE_IN + DG, L, DE_OUT)
    nW1, nb1, nW2, nb2, ng, nbt = _mlp_params(ks[6], DN + DG + DE_OUT + DE_OUT, L, DN)
    gW1, gb1, gW2, gb2, gg, gbt = _mlp_params(ks[7], DN + DE_OUT + DG, L, DG)
    return dict(edge_attr=edge_attr, node_attr=node_attr, global_attr=global_attr,
                edge_index=edge_index, batch=batch,
                eW1=eW1, eb1=eb1, eW2=eW2, eb2=eb2, eg=eg, ebt=ebt,
                nW1=nW1, nb1=nb1, nW2=nW2, nb2=nb2, ng=ng, nbt=nbt,
                gW1=gW1, gb1=gb1, gW2=gW2, gb2=gb2, gg=gg, gbt=gbt)


def _mlp(x, W1, b1, W2, b2, g, beta):
    h = jax.nn.relu(x @ W1 + b1)
    h = jax.nn.relu(h @ W2 + b2)  # activate_final=True
    mu = jnp.mean(h, axis=-1, keepdims=True)
    var = jnp.var(h, axis=-1, keepdims=True)
    h = (h - mu) / jnp.sqrt(var + 1e-5)  # normalize=True (LayerNorm)
    return h * g + beta


def reference(edge_attr, node_attr, global_attr, edge_index, batch,
              eW1, eb1, eW2, eb2, eg, ebt,
              nW1, nb1, nW2, nb2, ng, nbt,
              gW1, gb1, gW2, gb2, gg, gbt):
    row = edge_index[0]
    col = edge_index[1]
    num_nodes = node_attr.shape[0]
    num_globals = global_attr.shape[0]

    # --- edge model ---
    sender_attr = node_attr[row]
    receiver_attr = node_attr[col]
    global_to_edge = global_attr[batch[row]]  # cast_globals_to_edges
    edge_in = jnp.concatenate([receiver_attr, sender_attr, edge_attr, global_to_edge], axis=-1)
    edge_attr_new = _mlp(edge_in, eW1, eb1, eW2, eb2, eg, ebt)

    # --- node model ---
    global_to_nodes = global_attr[batch]  # cast_globals_to_nodes
    sender_to_node = jax.ops.segment_sum(edge_attr_new, row, num_segments=num_nodes)  # cast_edges_to_nodes
    receiver_to_node = jax.ops.segment_sum(edge_attr_new, col, num_segments=num_nodes)
    node_in = jnp.concatenate([node_attr, global_to_nodes, receiver_to_node, sender_to_node], axis=-1)
    node_attr_new = _mlp(node_in, nW1, nb1, nW2, nb2, ng, nbt)

    # --- global model ---
    node_cnt = jnp.maximum(jax.ops.segment_sum(jnp.ones((num_nodes,), jnp.float32), batch, num_segments=num_globals), 1.0)
    node_to_global = jax.ops.segment_sum(node_attr_new, batch, num_segments=num_globals) / node_cnt[:, None]
    edge_graph = batch[row]
    edge_cnt = jnp.maximum(jax.ops.segment_sum(jnp.ones((row.shape[0],), jnp.float32), edge_graph, num_segments=num_globals), 1.0)
    edge_to_global = jax.ops.segment_sum(edge_attr_new, edge_graph, num_segments=num_globals) / edge_cnt[:, None]
    glob_in = jnp.concatenate([node_to_global, edge_to_global, global_attr], axis=-1)
    global_attr_new = _mlp(glob_in, gW1, gb1, gW2, gb2, gg, gbt)

    return (edge_attr_new, node_attr_new, global_attr_new)

if __name__ == "__main__":
    import jax
    _d = setup_inputs()
    print(jax.jit(kernel)(*tuple(_d.values())))

</pallas_src>

<mosaic_0001>
#map = affine_map<(d0, d1) -> (0, 0)>
#map1 = affine_map<(d0, d1) -> (0)>
module attributes {stable_mosaic.version = 14 : i64} {
  func.func @k(%arg0: i32, %arg1: i32, %arg2: memref<10000x128xf32, #tpu.memory_space<hbm>>, %arg3: memref<10000x128xf32, #tpu.memory_space<hbm>>, %arg4: memref<640000xi32, #tpu.memory_space<hbm>>, %arg5: memref<320000x128xf32, #tpu.memory_space<hbm>>, %arg6: memref<320000x128xf32, #tpu.memory_space<hbm>>, %arg7: memref<128x128xf32, #tpu.memory_space<vmem>>, %arg8: memref<128xi32, #tpu.memory_space<vmem>>, %arg9: memref<32xi32, #tpu.memory_space<vmem>>) attributes {dimension_semantics = [#tpu.dimension_semantics<core_parallel>, #tpu.dimension_semantics<subcore_parallel>], iteration_bounds = array<i64: 2, 16>, scalar_prefetch = 0 : i64, scratch_operands = 3 : i64, tpu.core_type = #tpu.core_type<sc_vector_subcore>, window_params = [{transform_indices = #map}, {transform_indices = #map}, {transform_indices = #map1}, {transform_indices = #map}, {transform_indices = #map}]} {
    %mul3A = arith.constant 20000 : i32
    %mul3A_0 = arith.muli %arg1, %mul3A : i32
    %scan3A = arith.constant 0 : i32
    %scan3A_1 = arith.constant 0 : i32
    %scan3A_2 = arith.constant 156 : i32
    %scan3A_3 = arith.addi %scan3A_1, %scan3A_2 : i32
    %scan3A_4 = arith.constant 1 : i32
    scf.for %scan3A_17 = %scan3A_1 to %scan3A_3 step %scan3A_4  : i32 {
      %mul3A_18 = arith.constant 128 : i32
      %mul3A_19 = arith.muli %scan3A_17, %mul3A_18 : i32
      %add3A_20 = arith.addi %mul3A_0, %mul3A_19 : i32
      %mul3A_21 = arith.constant 320000 : i32
      %mul3A_22 = arith.muli %arg0, %mul3A_21 : i32
      %add3A_23 = arith.addi %mul3A_22, %add3A_20 : i32
      "tpu.region"() ({
        %run_scoped3A = tpu.sem_alloc : memref<!tpu.dma_semaphore, #tpu.memory_space<semaphore_mem>>
        %dma_start3A = tpu.memref_slice %arg4[%add3A_23] : memref<640000xi32, #tpu.memory_space<hbm>> -> memref<128xi32, #tpu.memory_space<hbm>>
        %dma_start3A_34 = tpu.memref_slice %arg4[%add3A_23] : memref<640000xi32, #tpu.memory_space<hbm>> -> memref<128xi32, #tpu.memory_space<hbm>>
        tpu.enqueue_dma source(%dma_start3A_34 : memref<128xi32, #tpu.memory_space<hbm>>) target(%arg8 : memref<128xi32, #tpu.memory_space<vmem>>) target_semaphore(%run_scoped3A : memref<!tpu.dma_semaphore, #tpu.memory_space<semaphore_mem>>)
        %dma_wait3A = tpu.memref_slice %arg4[%add3A_23] : memref<640000xi32, #tpu.memory_space<hbm>> -> memref<128xi32, #tpu.memory_space<hbm>>
        %dma_wait3A_35 = tpu.memref_slice %arg4[%add3A_23] : memref<640000xi32, #tpu.memory_space<hbm>> -> memref<128xi32, #tpu.memory_space<hbm>>
        tpu.wait_dma2 semaphore(%run_scoped3A : memref<!tpu.dma_semaphore, #tpu.memory_space<semaphore_mem>>) src(%dma_wait3A_35 : memref<128xi32, #tpu.memory_space<hbm>>) dst(%arg8 : memref<128xi32, #tpu.memory_space<vmem>>)
        tpu.yield
      }) : () -> ()
      %eq3A_24 = arith.constant 0 : i32
      %eq3A_25 = arith.cmpi eq, %arg0, %eq3A_24 : i32
      %convert_element_type3A_26 = arith.extui %eq3A_25 : i1 to i32
      %cond3A_27 = arith.constant 0 : i32
      %cond3A_28 = arith.cmpi ne, %convert_element_type3A_26, %cond3A_27 : i32
      scf.if %cond3A_28 {
        "tpu.region"() ({
          %run_scoped3A = tpu.sem_alloc : memref<!tpu.dma_semaphore, #tpu.memory_space<semaphore_mem>>
          %dma_start3A = arith.constant 0 : i32
          %dma_start3A_34 = arith.constant 0 : i32
          %dma_start3A_35 = tpu.memref_slice %arg3[%dma_start3A, %dma_start3A_34] : memref<10000x128xf32, #tpu.memory_space<hbm>> -> memref<10000x128xf32, #tpu.memory_space<hbm>>
          tpu.enqueue_indirect_dma source(%dma_start3A_35 : memref<10000x128xf32, #tpu.memory_space<hbm>>) target(%arg7 : memref<128x128xf32, #tpu.memory_space<vmem>>) offsets(%arg8 : memref<128xi32, #tpu.memory_space<vmem>>) semaphore(%run_scoped3A : memref<!tpu.dma_semaphore, #tpu.memory_space<semaphore_mem>>)
          %dma_wait3A = arith.constant 0 : i32
          %dma_wait3A_36 = arith.constant 0 : i32
          %dma_wait3A_37 = tpu.memref_slice %arg3[%dma_wait3A, %dma_wait3A_36] : memref<10000x128xf32, #tpu.memory_space<hbm>> -> memref<10000x128xf32, #tpu.memory_space<hbm>>
          tpu.wait_indirect_dma semaphore(%run_scoped3A : memref<!tpu.dma_semaphore, #tpu.memory_space<semaphore_mem>>) src(%dma_wait3A_37 : memref<10000x128xf32, #tpu.memory_space<hbm>>) dst(%arg7 : memref<128x128xf32, #tpu.memory_space<vmem>>)
          tpu.yield
        }) : () -> ()
        "tpu.region"() ({
          %run_scoped3A = tpu.sem_alloc : memref<!tpu.dma_semaphore, #tpu.memory_space<semaphore_mem>>
          %dma_start3A = arith.constant 0 : i32
          %dma_start3A_34 = tpu.memref_slice %arg5[%add3A_20, %dma_start3A] : memref<320000x128xf32, #tpu.memory_space<hbm>> -> memref<128x128xf32, #tpu.memory_space<hbm>>
          %dma_start3A_35 = arith.constant 0 : i32
          %dma_start3A_36 = tpu.memref_slice %arg5[%add3A_20, %dma_start3A_35] : memref<320000x128xf32, #tpu.memory_space<hbm>> -> memref<128x128xf32, #tpu.memory_space<hbm>>
          tpu.enqueue_dma source(%arg7 : memref<128x128xf32, #tpu.memory_space<vmem>>) target(%dma_start3A_36 : memref<128x128xf32, #tpu.memory_space<hbm>>) target_semaphore(%run_scoped3A : memref<!tpu.dma_semaphore, #tpu.memory_space<semaphore_mem>>)
          %dma_wait3A = arith.constant 0 : i32
          %dma_wait3A_37 = tpu.memref_slice %arg5[%add3A_20, %dma_wait3A] : memref<320000x128xf32, #tpu.memory_space<hbm>> -> memref<128x128xf32, #tpu.memory_space<hbm>>
          %dma_wait3A_38 = arith.constant 0 : i32
          %dma_wait3A_39 = tpu.memref_slice %arg5[%add3A_20, %dma_wait3A_38] : memref<320000x128xf32, #tpu.memory_space<hbm>> -> memref<128x128xf32, #tpu.memory_space<hbm>>
          tpu.wait_dma2 semaphore(%run_scoped3A : memref<!tpu.dma_semaphore, #tpu.memory_space<semaphore_mem>>) src(%arg7 : memref<128x128xf32, #tpu.memory_space<vmem>>) dst(%dma_wait3A_39 : memref<128x128xf32, #tpu.memory_space<hbm>>)
          tpu.yield
        }) : () -> ()
      } else {
      }
      %eq3A_29 = arith.constant 1 : i32
      %eq3A_30 = arith.cmpi eq, %arg0, %eq3A_29 : i32
      %convert_element_type3A_31 = arith.extui %eq3A_30 : i1 to i32
      %cond3A_32 = arith.constant 0 : i32
      %cond3A_33 = arith.cmpi ne, %convert_element_type3A_31, %cond3A_32 : i32
      scf.if %cond3A_33 {
        "tpu.region"() ({
          %run_scoped3A = tpu.sem_alloc : memref<!tpu.dma_semaphore, #tpu.memory_space<semaphore_mem>>
          %dma_start3A = arith.constant 0 : i32
          %dma_start3A_34 = arith.constant 0 : i32
          %dma_start3A_35 = tpu.memref_slice %arg2[%dma_start3A, %dma_start3A_34] : memref<10000x128xf32, #tpu.memory_space<hbm>> -> memref<10000x128xf32, #tpu.memory_space<hbm>>
          tpu.enqueue_indirect_dma source(%dma_start3A_35 : memref<10000x128xf32, #tpu.memory_space<hbm>>) target(%arg7 : memref<128x128xf32, #tpu.memory_space<vmem>>) offsets(%arg8 : memref<128xi32, #tpu.memory_space<vmem>>) semaphore(%run_scoped3A : memref<!tpu.dma_semaphore, #tpu.memory_space<semaphore_mem>>)
          %dma_wait3A = arith.constant 0 : i32
          %dma_wait3A_36 = arith.constant 0 : i32
          %dma_wait3A_37 = tpu.memref_slice %arg2[%dma_wait3A, %dma_wait3A_36] : memref<10000x128xf32, #tpu.memory_space<hbm>> -> memref<10000x128xf32, #tpu.memory_space<hbm>>
          tpu.wait_indirect_dma semaphore(%run_scoped3A : memref<!tpu.dma_semaphore, #tpu.memory_space<semaphore_mem>>) src(%dma_wait3A_37 : memref<10000x128xf32, #tpu.memory_space<hbm>>) dst(%arg7 : memref<128x128xf32, #tpu.memory_space<vmem>>)
          tpu.yield
        }) : () -> ()
        "tpu.region"() ({
          %run_scoped3A = tpu.sem_alloc : memref<!tpu.dma_semaphore, #tpu.memory_space<semaphore_mem>>
          %dma_start3A = arith.constant 0 : i32
          %dma_start3A_34 = tpu.memref_slice %arg6[%add3A_20, %dma_start3A] : memref<320000x128xf32, #tpu.memory_space<hbm>> -> memref<128x128xf32, #tpu.memory_space<hbm>>
          %dma_start3A_35 = arith.constant 0 : i32
          %dma_start3A_36 = tpu.memref_slice %arg6[%add3A_20, %dma_start3A_35] : memref<320000x128xf32, #tpu.memory_space<hbm>> -> memref<128x128xf32, #tpu.memory_space<hbm>>
          tpu.enqueue_dma source(%arg7 : memref<128x128xf32, #tpu.memory_space<vmem>>) target(%dma_start3A_36 : memref<128x128xf32, #tpu.memory_space<hbm>>) target_semaphore(%run_scoped3A : memref<!tpu.dma_semaphore, #tpu.memory_space<semaphore_mem>>)
          %dma_wait3A = arith.constant 0 : i32
          %dma_wait3A_37 = tpu.memref_slice %arg6[%add3A_20, %dma_wait3A] : memref<320000x128xf32, #tpu.memory_space<hbm>> -> memref<128x128xf32, #tpu.memory_space<hbm>>
          %dma_wait3A_38 = arith.constant 0 : i32
          %dma_wait3A_39 = tpu.memref_slice %arg6[%add3A_20, %dma_wait3A_38] : memref<320000x128xf32, #tpu.memory_space<hbm>> -> memref<128x128xf32, #tpu.memory_space<hbm>>
          tpu.wait_dma2 semaphore(%run_scoped3A : memref<!tpu.dma_semaphore, #tpu.memory_space<semaphore_mem>>) src(%arg7 : memref<128x128xf32, #tpu.memory_space<vmem>>) dst(%dma_wait3A_39 : memref<128x128xf32, #tpu.memory_space<hbm>>)
          tpu.yield
        }) : () -> ()
      } else {
      }
    }
    %scan3A_5 = arith.constant 156 : i32
    %add3A = arith.constant 19968 : i32
    %add3A_6 = arith.addi %mul3A_0, %add3A : i32
    %mul3A_7 = arith.constant 320000 : i32
    %mul3A_8 = arith.muli %arg0, %mul3A_7 : i32
    %add3A_9 = arith.addi %mul3A_8, %add3A_6 : i32
    "tpu.region"() ({
      %run_scoped3A = tpu.sem_alloc : memref<!tpu.dma_semaphore, #tpu.memory_space<semaphore_mem>>
      %dma_start3A = tpu.memref_slice %arg4[%add3A_9] : memref<640000xi32, #tpu.memory_space<hbm>> -> memref<32xi32, #tpu.memory_space<hbm>>
      %dma_start3A_17 = tpu.memref_slice %arg4[%add3A_9] : memref<640000xi32, #tpu.memory_space<hbm>> -> memref<32xi32, #tpu.memory_space<hbm>>
      tpu.enqueue_dma source(%dma_start3A_17 : memref<32xi32, #tpu.memory_space<hbm>>) target(%arg9 : memref<32xi32, #tpu.memory_space<vmem>>) target_semaphore(%run_scoped3A : memref<!tpu.dma_semaphore, #tpu.memory_space<semaphore_mem>>)
      %dma_wait3A = tpu.memref_slice %arg4[%add3A_9] : memref<640000xi32, #tpu.memory_space<hbm>> -> memref<32xi32, #tpu.memory_space<hbm>>
      %dma_wait3A_18 = tpu.memref_slice %arg4[%add3A_9] : memref<640000xi32, #tpu.memory_space<hbm>> -> memref<32xi32, #tpu.memory_space<hbm>>
      tpu.wait_dma2 semaphore(%run_scoped3A : memref<!tpu.dma_semaphore, #tpu.memory_space<semaphore_mem>>) src(%dma_wait3A_18 : memref<32xi32, #tpu.memory_space<hbm>>) dst(%arg9 : memref<32xi32, #tpu.memory_space<vmem>>)
      tpu.yield
    }) : () -> ()
    %eq3A = arith.constant 0 : i32
    %eq3A_10 = arith.cmpi eq, %arg0, %eq3A : i32
    %convert_element_type3A = arith.extui %eq3A_10 : i1 to i32
    %cond3A = arith.constant 0 : i32
    %cond3A_11 = arith.cmpi ne, %convert_element_type3A, %cond3A : i32
    scf.if %cond3A_11 {
      "tpu.region"() ({
        %run_scoped3A = tpu.sem_alloc : memref<!tpu.dma_semaphore, #tpu.memory_space<semaphore_mem>>
        %dma_start3A = arith.constant 0 : i32
        %dma_start3A_17 = arith.constant 0 : i32
        %dma_start3A_18 = tpu.memref_slice %arg7[%dma_start3A, %dma_start3A_17] : memref<128x128xf32, #tpu.memory_space<vmem>> -> memref<32x128xf32, #tpu.memory_space<vmem>>
        %dma_start3A_19 = arith.constant 0 : i32
        %dma_start3A_20 = arith.constant 0 : i32
        %dma_start3A_21 = tpu.memref_slice %arg3[%dma_start3A_19, %dma_start3A_20] : memref<10000x128xf32, #tpu.memory_space<hbm>> -> memref<10000x128xf32, #tpu.memory_space<hbm>>
        tpu.enqueue_indirect_dma source(%dma_start3A_21 : memref<10000x128xf32, #tpu.memory_space<hbm>>) target(%dma_start3A_18 : memref<32x128xf32, #tpu.memory_space<vmem>>) offsets(%arg9 : memref<32xi32, #tpu.memory_space<vmem>>) semaphore(%run_scoped3A : memref<!tpu.dma_semaphore, #tpu.memory_space<semaphore_mem>>)
        %dma_wait3A = arith.constant 0 : i32
        %dma_wait3A_22 = arith.constant 0 : i32
        %dma_wait3A_23 = tpu.memref_slice %arg7[%dma_wait3A, %dma_wait3A_22] : memref<128x128xf32, #tpu.memory_space<vmem>> -> memref<32x128xf32, #tpu.memory_space<vmem>>
        %dma_wait3A_24 = arith.constant 0 : i32
        %dma_wait3A_25 = arith.constant 0 : i32
        %dma_wait3A_26 = tpu.memref_slice %arg3[%dma_wait3A_24, %dma_wait3A_25] : memref<10000x128xf32, #tpu.memory_space<hbm>> -> memref<10000x128xf32, #tpu.memory_space<hbm>>
        tpu.wait_indirect_dma semaphore(%run_scoped3A : memref<!tpu.dma_semaphore, #tpu.memory_space<semaphore_mem>>) src(%dma_wait3A_26 : memref<10000x128xf32, #tpu.memory_space<hbm>>) dst(%dma_wait3A_23 : memref<32x128xf32, #tpu.memory_space<vmem>>)
        tpu.yield
      }) : () -> ()
      "tpu.region"() ({
        %run_scoped3A = tpu.sem_alloc : memref<!tpu.dma_semaphore, #tpu.memory_space<semaphore_mem>>
        %dma_start3A = arith.constant 0 : i32
        %dma_start3A_17 = arith.constant 0 : i32
        %dma_start3A_18 = tpu.memref_slice %arg7[%dma_start3A, %dma_start3A_17] : memref<128x128xf32, #tpu.memory_space<vmem>> -> memref<32x128xf32, #tpu.memory_space<vmem>>
        %dma_start3A_19 = arith.constant 0 : i32
        %dma_start3A_20 = tpu.memref_slice %arg5[%add3A_6, %dma_start3A_19] : memref<320000x128xf32, #tpu.memory_space<hbm>> -> memref<32x128xf32, #tpu.memory_space<hbm>>
        %dma_start3A_21 = arith.constant 0 : i32
        %dma_start3A_22 = tpu.memref_slice %arg5[%add3A_6, %dma_start3A_21] : memref<320000x128xf32, #tpu.memory_space<hbm>> -> memref<32x128xf32, #tpu.memory_space<hbm>>
        %dma_start3A_23 = arith.constant 0 : i32
        %dma_start3A_24 = arith.constant 0 : i32
        %dma_start3A_25 = tpu.memref_slice %arg7[%dma_start3A_23, %dma_start3A_24] : memref<128x128xf32, #tpu.memory_space<vmem>> -> memref<32x128xf32, #tpu.memory_space<vmem>>
        tpu.enqueue_dma source(%dma_start3A_25 : memref<32x128xf32, #tpu.memory_space<vmem>>) target(%dma_start3A_22 : memref<32x128xf32, #tpu.memory_space<hbm>>) target_semaphore(%run_scoped3A : memref<!tpu.dma_semaphore, #tpu.memory_space<semaphore_mem>>)
        %dma_wait3A = arith.constant 0 : i32
        %dma_wait3A_26 = arith.constant 0 : i32
        %dma_wait3A_27 = tpu.memref_slice %arg7[%dma_wait3A, %dma_wait3A_26] : memref<128x128xf32, #tpu.memory_space<vmem>> -> memref<32x128xf32, #tpu.memory_space<vmem>>
        %dma_wait3A_28 = arith.constant 0 : i32
        %dma_wait3A_29 = tpu.memref_slice %arg5[%add3A_6, %dma_wait3A_28] : memref<320000x128xf32, #tpu.memory_space<hbm>> -> memref<32x128xf32, #tpu.memory_space<hbm>>
        %dma_wait3A_30 = arith.constant 0 : i32
        %dma_wait3A_31 = tpu.memref_slice %arg5[%add3A_6, %dma_wait3A_30] : memref<320000x128xf32, #tpu.memory_space<hbm>> -> memref<32x128xf32, #tpu.memory_space<hbm>>
        %dma_wait3A_32 = arith.constant 0 : i32
        %dma_wait3A_33 = arith.constant 0 : i32
        %dma_wait3A_34 = tpu.memref_slice %arg7[%dma_wait3A_32, %dma_wait3A_33] : memref<128x128xf32, #tpu.memory_space<vmem>> -> memref<32x128xf32, #tpu.memory_space<vmem>>
        tpu.wait_dma2 semaphore(%run_scoped3A : memref<!tpu.dma_semaphore, #tpu.memory_space<semaphore_mem>>) src(%dma_wait3A_34 : memref<32x128xf32, #tpu.memory_space<vmem>>) dst(%dma_wait3A_31 : memref<32x128xf32, #tpu.memory_space<hbm>>)
        tpu.yield
      }) : () -> ()
    } else {
    }
    %eq3A_12 = arith.constant 1 : i32
    %eq3A_13 = arith.cmpi eq, %arg0, %eq3A_12 : i32
    %convert_element_type3A_14 = arith.extui %eq3A_13 : i1 to i32
    %cond3A_15 = arith.constant 0 : i32
    %cond3A_16 = arith.cmpi ne, %convert_element_type3A_14, %cond3A_15 : i32
    scf.if %cond3A_16 {
      "tpu.region"() ({
        %run_scoped3A = tpu.sem_alloc : memref<!tpu.dma_semaphore, #tpu.memory_space<semaphore_mem>>
        %dma_start3A = arith.constant 0 : i32
        %dma_start3A_17 = arith.constant 0 : i32
        %dma_start3A_18 = tpu.memref_slice %arg7[%dma_start3A, %dma_start3A_17] : memref<128x128xf32, #tpu.memory_space<vmem>> -> memref<32x128xf32, #tpu.memory_space<vmem>>
        %dma_start3A_19 = arith.constant 0 : i32
        %dma_start3A_20 = arith.constant 0 : i32
        %dma_start3A_21 = tpu.memref_slice %arg2[%dma_start3A_19, %dma_start3A_20] : memref<10000x128xf32, #tpu.memory_space<hbm>> -> memref<10000x128xf32, #tpu.memory_space<hbm>>
        tpu.enqueue_indirect_dma source(%dma_start3A_21 : memref<10000x128xf32, #tpu.memory_space<hbm>>) target(%dma_start3A_18 : memref<32x128xf32, #tpu.memory_space<vmem>>) offsets(%arg9 : memref<32xi32, #tpu.memory_space<vmem>>) semaphore(%run_scoped3A : memref<!tpu.dma_semaphore, #tpu.memory_space<semaphore_mem>>)
        %dma_wait3A = arith.constant 0 : i32
        %dma_wait3A_22 = arith.constant 0 : i32
        %dma_wait3A_23 = tpu.memref_slice %arg7[%dma_wait3A, %dma_wait3A_22] : memref<128x128xf32, #tpu.memory_space<vmem>> -> memref<32x128xf32, #tpu.memory_space<vmem>>
        %dma_wait3A_24 = arith.constant 0 : i32
        %dma_wait3A_25 = arith.constant 0 : i32
        %dma_wait3A_26 = tpu.memref_slice %arg2[%dma_wait3A_24, %dma_wait3A_25] : memref<10000x128xf32, #tpu.memory_space<hbm>> -> memref<10000x128xf32, #tpu.memory_space<hbm>>
        tpu.wait_indirect_dma semaphore(%run_scoped3A : memref<!tpu.dma_semaphore, #tpu.memory_space<semaphore_mem>>) src(%dma_wait3A_26 : memref<10000x128xf32, #tpu.memory_space<hbm>>) dst(%dma_wait3A_23 : memref<32x128xf32, #tpu.memory_space<vmem>>)
        tpu.yield
      }) : () -> ()
      "tpu.region"() ({
        %run_scoped3A = tpu.sem_alloc : memref<!tpu.dma_semaphore, #tpu.memory_space<semaphore_mem>>
        %dma_start3A = arith.constant 0 : i32
        %dma_start3A_17 = arith.constant 0 : i32
        %dma_start3A_18 = tpu.memref_slice %arg7[%dma_start3A, %dma_start3A_17] : memref<128x128xf32, #tpu.memory_space<vmem>> -> memref<32x128xf32, #tpu.memory_space<vmem>>
        %dma_start3A_19 = arith.constant 0 : i32
        %dma_start3A_20 = tpu.memref_slice %arg6[%add3A_6, %dma_start3A_19] : memref<320000x128xf32, #tpu.memory_space<hbm>> -> memref<32x128xf32, #tpu.memory_space<hbm>>
        %dma_start3A_21 = arith.constant 0 : i32
        %dma_start3A_22 = tpu.memref_slice %arg6[%add3A_6, %dma_start3A_21] : memref<320000x128xf32, #tpu.memory_space<hbm>> -> memref<32x128xf32, #tpu.memory_space<hbm>>
        %dma_start3A_23 = arith.constant 0 : i32
        %dma_start3A_24 = arith.constant 0 : i32
        %dma_start3A_25 = tpu.memref_slice %arg7[%dma_start3A_23, %dma_start3A_24] : memref<128x128xf32, #tpu.memory_space<vmem>> -> memref<32x128xf32, #tpu.memory_space<vmem>>
        tpu.enqueue_dma source(%dma_start3A_25 : memref<32x128xf32, #tpu.memory_space<vmem>>) target(%dma_start3A_22 : memref<32x128xf32, #tpu.memory_space<hbm>>) target_semaphore(%run_scoped3A : memref<!tpu.dma_semaphore, #tpu.memory_space<semaphore_mem>>)
        %dma_wait3A = arith.constant 0 : i32
        %dma_wait3A_26 = arith.constant 0 : i32
        %dma_wait3A_27 = tpu.memref_slice %arg7[%dma_wait3A, %dma_wait3A_26] : memref<128x128xf32, #tpu.memory_space<vmem>> -> memref<32x128xf32, #tpu.memory_space<vmem>>
        %dma_wait3A_28 = arith.constant 0 : i32
        %dma_wait3A_29 = tpu.memref_slice %arg6[%add3A_6, %dma_wait3A_28] : memref<320000x128xf32, #tpu.memory_space<hbm>> -> memref<32x128xf32, #tpu.memory_space<hbm>>
        %dma_wait3A_30 = arith.constant 0 : i32
        %dma_wait3A_31 = tpu.memref_slice %arg6[%add3A_6, %dma_wait3A_30] : memref<320000x128xf32, #tpu.memory_space<hbm>> -> memref<32x128xf32, #tpu.memory_space<hbm>>
        %dma_wait3A_32 = arith.constant 0 : i32
        %dma_wait3A_33 = arith.constant 0 : i32
        %dma_wait3A_34 = tpu.memref_slice %arg7[%dma_wait3A_32, %dma_wait3A_33] : memref<128x128xf32, #tpu.memory_space<vmem>> -> memref<32x128xf32, #tpu.memory_space<vmem>>
        tpu.wait_dma2 semaphore(%run_scoped3A : memref<!tpu.dma_semaphore, #tpu.memory_space<semaphore_mem>>) src(%dma_wait3A_34 : memref<32x128xf32, #tpu.memory_space<vmem>>) dst(%dma_wait3A_31 : memref<32x128xf32, #tpu.memory_space<hbm>>)
        tpu.yield
      }) : () -> ()
    } else {
    }
    return
  }
}

#map = affine_map<(d0, d1) -> (0, 0)>
#map1 = affine_map<(d0, d1) -> (0)>
module attributes {stable_mosaic.version = 14 : i64} {
  func.func @k(%arg0: i32, %arg1: i32, %arg2: memref<320000x128xf32, #tpu.memory_space<hbm>>, %arg3: memref<640000xi32, #tpu.memory_space<hbm>>, %arg4: memref<128x128xf32, #tpu.memory_space<hbm>>, %arg5: memref<80xi32, #tpu.memory_space<hbm>>, %arg6: memref<10240x128xf32, #tpu.memory_space<hbm>>, %arg7: memref<10240x128xf32, #tpu.memory_space<hbm>>, %arg8: memref<80x128xf32, #tpu.memory_space<hbm>>, %arg9: memref<128x128xf32, #tpu.memory_space<vmem>>, %arg10: memref<128xi32, #tpu.memory_space<vmem>>, %arg11: memref<32xi32, #tpu.memory_space<vmem>>, %arg12: memref<80x128xf32, #tpu.memory_space<vmem>>, %arg13: memref<80xi32, #tpu.memory_space<vmem>>, %arg14: memref<10240x128xf32, #tpu.memory_space<vmem_shared>>, %arg15: memref<80x128xf32, #tpu.memory_space<vmem_shared>>) attributes {dimension_semantics = [#tpu.dimension_semantics<core_parallel>, #tpu.dimension_semantics<subcore_parallel>], iteration_bounds = array<i64: 2, 16>, scalar_prefetch = 0 : i64, scratch_operands = 7 : i64, tpu.core_type = #tpu.core_type<sc_vector_subcore>, window_params = [{transform_indices = #map}, {transform_indices = #map1}, {transform_indices = #map}, {transform_indices = #map1}, {transform_indices = #map}, {transform_indices = #map}, {transform_indices = #map}]} {
    %mul3A = arith.constant 640 : i32
    %mul3A_0 = arith.muli %arg1, %mul3A : i32
    %broadcast_in_dim3A = arith.constant 127 : i32
    %broadcast_in_dim3A_1 = vector.broadcast %broadcast_in_dim3A : i32 to vector<16xi32>
    %broadcast_in_dim3A_2 = arith.constant 1.000000e+00 : f32
    %broadcast_in_dim3A_3 = vector.broadcast %broadcast_in_dim3A_2 : f32 to vector<16xf32>
    "tpu.region"() ({
      %run_scoped3A = tpu.sem_alloc : memref<!tpu.dma_semaphore, #tpu.memory_space<semaphore_mem>>
      tpu.enqueue_dma source(%arg4 : memref<128x128xf32, #tpu.memory_space<hbm>>) target(%arg9 : memref<128x128xf32, #tpu.memory_space<vmem>>) target_semaphore(%run_scoped3A : memref<!tpu.dma_semaphore, #tpu.memory_space<semaphore_mem>>)
      tpu.wait_dma2 semaphore(%run_scoped3A : memref<!tpu.dma_semaphore, #tpu.memory_space<semaphore_mem>>) src(%arg4 : memref<128x128xf32, #tpu.memory_space<hbm>>) dst(%arg9 : memref<128x128xf32, #tpu.memory_space<vmem>>)
      tpu.yield
    }) : () -> ()
    %scan3A = arith.constant 0 : i32
    %scan3A_4 = arith.constant 0 : i32
    %scan3A_5 = arith.constant 5 : i32
    %scan3A_6 = arith.addi %scan3A_4, %scan3A_5 : i32
    %scan3A_7 = arith.constant 1 : i32
    scf.for %scan3A_42 = %scan3A_4 to %scan3A_6 step %scan3A_7  : i32 {
      %mul3A_43 = arith.constant 128 : i32
      %mul3A_44 = arith.muli %scan3A_42, %mul3A_43 : i32
      %add3A_45 = arith.addi %mul3A_0, %mul3A_44 : i32
      "tpu.region"() ({
        %run_scoped3A = tpu.sem_alloc : memref<!tpu.dma_semaphore, #tpu.memory_space<semaphore_mem>>
        %dma_start3A = arith.constant 0 : i32
        %dma_start3A_46 = tpu.memref_slice %arg14[%add3A_45, %dma_start3A] : memref<10240x128xf32, #tpu.memory_space<vmem_shared>> -> memref<128x128xf32, #tpu.memory_space<vmem_shared>>
        %dma_start3A_47 = arith.constant 0 : i32
        %dma_start3A_48 = tpu.memref_slice %arg14[%add3A_45, %dma_start3A_47] : memref<10240x128xf32, #tpu.memory_space<vmem_shared>> -> memref<128x128xf32, #tpu.memory_space<vmem_shared>>
        tpu.enqueue_dma source(%arg9 : memref<128x128xf32, #tpu.memory_space<vmem>>) target(%dma_start3A_48 : memref<128x128xf32, #tpu.memory_space<vmem_shared>>) target_semaphore(%run_scoped3A : memref<!tpu.dma_semaphore, #tpu.memory_space<semaphore_mem>>)
        %dma_wait3A = arith.constant 0 : i32
        %dma_wait3A_49 = tpu.memref_slice %arg14[%add3A_45, %dma_wait3A] : memref<10240x128xf32, #tpu.memory_space<vmem_shared>> -> memref<128x128xf32, #tpu.memory_space<vmem_shared>>
        %dma_wait3A_50 = arith.constant 0 : i32
        %dma_wait3A_51 = tpu.memref_slice %arg14[%add3A_45, %dma_wait3A_50] : memref<10240x128xf32, #tpu.memory_space<vmem_shared>> -> memref<128x128xf32, #tpu.memory_space<vmem_shared>>
        tpu.wait_dma2 semaphore(%run_scoped3A : memref<!tpu.dma_semaphore, #tpu.memory_space<semaphore_mem>>) src(%arg9 : memref<128x128xf32, #tpu.memory_space<vmem>>) dst(%dma_wait3A_51 : memref<128x128xf32, #tpu.memory_space<vmem_shared>>)
        tpu.yield
      }) : () -> ()
    }
    %scan3A_8 = arith.constant 5 : i32
    %eq3A = arith.constant 0 : i32
    %eq3A_9 = arith.cmpi eq, %arg0, %eq3A : i32
    %convert_element_type3A = arith.extui %eq3A_9 : i1 to i32
    %cond3A = arith.constant 0 : i32
    %cond3A_10 = arith.cmpi ne, %convert_element_type3A, %cond3A : i32
    scf.if %cond3A_10 {
      "tpu.region"() ({
        %run_scoped3A = tpu.sem_alloc : memref<!tpu.dma_semaphore, #tpu.memory_space<semaphore_mem>>
        %dma_start3A = arith.constant 0 : i32
        %dma_start3A_47 = arith.constant 0 : i32
        %dma_start3A_48 = tpu.memref_slice %arg4[%dma_start3A, %dma_start3A_47] : memref<128x128xf32, #tpu.memory_space<hbm>> -> memref<80x128xf32, #tpu.memory_space<hbm>>
        %dma_start3A_49 = arith.constant 0 : i32
        %dma_start3A_50 = arith.constant 0 : i32
        %dma_start3A_51 = tpu.memref_slice %arg4[%dma_start3A_49, %dma_start3A_50] : memref<128x128xf32, #tpu.memory_space<hbm>> -> memref<80x128xf32, #tpu.memory_space<hbm>>
        tpu.enqueue_dma source(%dma_start3A_51 : memref<80x128xf32, #tpu.memory_space<hbm>>) target(%arg12 : memref<80x128xf32, #tpu.memory_space<vmem>>) target_semaphore(%run_scoped3A : memref<!tpu.dma_semaphore, #tpu.memory_space<semaphore_mem>>)
        %dma_wait3A = arith.constant 0 : i32
        %dma_wait3A_52 = arith.constant 0 : i32
        %dma_wait3A_53 = tpu.memref_slice %arg4[%dma_wait3A, %dma_wait3A_52] : memref<128x128xf32, #tpu.memory_space<hbm>> -> memref<80x128xf32, #tpu.memory_space<hbm>>
        %dma_wait3A_54 = arith.constant 0 : i32
        %dma_wait3A_55 = arith.constant 0 : i32
        %dma_wait3A_56 = tpu.memref_slice %arg4[%dma_wait3A_54, %dma_wait3A_55] : memref<128x128xf32, #tpu.memory_space<hbm>> -> memref<80x128xf32, #tpu.memory_space<hbm>>
        tpu.wait_dma2 semaphore(%run_scoped3A : memref<!tpu.dma_semaphore, #tpu.memory_space<semaphore_mem>>) src(%dma_wait3A_56 : memref<80x128xf32, #tpu.memory_space<hbm>>) dst(%arg12 : memref<80x128xf32, #tpu.memory_space<vmem>>)
        tpu.yield
      }) : () -> ()
      "tpu.region"() ({
        %run_scoped3A = tpu.sem_alloc : memref<!tpu.dma_semaphore, #tpu.memory_space<semaphore_mem>>
        tpu.enqueue_dma source(%arg5 : memref<80xi32, #tpu.memory_space<hbm>>) target(%arg13 : memref<80xi32, #tpu.memory_space<vmem>>) target_semaphore(%run_scoped3A : memref<!tpu.dma_semaphore, #tpu.memory_space<semaphore_mem>>)
        tpu.wait_dma2 semaphore(%run_scoped3A : memref<!tpu.dma_semaphore, #tpu.memory_space<semaphore_mem>>) src(%arg5 : memref<80xi32, #tpu.memory_space<hbm>>) dst(%arg13 : memref<80xi32, #tpu.memory_space<vmem>>)
        tpu.yield
      }) : () -> ()
      %eq3A_42 = arith.constant 0 : i32
      %eq3A_43 = arith.cmpi eq, %arg1, %eq3A_42 : i32
      %convert_element_type3A_44 = arith.extui %eq3A_43 : i1 to i32
      %cond3A_45 = arith.constant 0 : i32
      %cond3A_46 = arith.cmpi ne, %convert_element_type3A_44, %cond3A_45 : i32
      scf.if %cond3A_46 {
        "tpu.region"() ({
          %run_scoped3A = tpu.sem_alloc : memref<!tpu.dma_semaphore, #tpu.memory_space<semaphore_mem>>
          %dma_start3A = arith.constant 0 : i32
          %dma_start3A_47 = arith.constant 0 : i32
          %dma_start3A_48 = tpu.memref_slice %arg15[%dma_start3A, %dma_start3A_47] : memref<80x128xf32, #tpu.memory_space<vmem_shared>> -> memref<80x128xf32, #tpu.memory_space<vmem_shared>>
          %dma_start3A_49 = arith.constant 0 : i32
          %dma_start3A_50 = arith.constant 0 : i32
          %dma_start3A_51 = tpu.memref_slice %arg4[%dma_start3A_49, %dma_start3A_50] : memref<128x128xf32, #tpu.memory_space<hbm>> -> memref<80x128xf32, #tpu.memory_space<hbm>>
          tpu.enqueue_dma source(%dma_start3A_51 : memref<80x128xf32, #tpu.memory_space<hbm>>) target(%dma_start3A_48 : memref<80x128xf32, #tpu.memory_space<vmem_shared>>) target_semaphore(%run_scoped3A : memref<!tpu.dma_semaphore, #tpu.memory_space<semaphore_mem>>)
          %dma_wait3A = arith.constant 0 : i32
          %dma_wait3A_52 = arith.constant 0 : i32
          %dma_wait3A_53 = tpu.memref_slice %arg15[%dma_wait3A, %dma_wait3A_52] : memref<80x128xf32, #tpu.memory_space<vmem_shared>> -> memref<80x128xf32, #tpu.memory_space<vmem_shared>>
          %dma_wait3A_54 = arith.constant 0 : i32
          %dma_wait3A_55 = arith.constant 0 : i32
          %dma_wait3A_56 = tpu.memref_slice %arg4[%dma_wait3A_54, %dma_wait3A_55] : memref<128x128xf32, #tpu.memory_space<hbm>> -> memref<80x128xf32, #tpu.memory_space<hbm>>
          tpu.wait_dma2 semaphore(%run_scoped3A : memref<!tpu.dma_semaphore, #tpu.memory_space<semaphore_mem>>) src(%dma_wait3A_56 : memref<80x128xf32, #tpu.memory_space<hbm>>) dst(%dma_wait3A_53 : memref<80x128xf32, #tpu.memory_space<vmem_shared>>)
          tpu.yield
        }) : () -> ()
      } else {
      }
    } else {
    }
    %barrier3A = arith.constant 0 : index
    tpu.barrier barrier_id(%barrier3A)
    %mul3A_11 = arith.constant 20000 : i32
    %mul3A_12 = arith.muli %arg1, %mul3A_11 : i32
    %scan3A_13 = arith.constant 0 : i32
    %scan3A_14 = arith.constant 0 : i32
    %scan3A_15 = arith.constant 156 : i32
    %scan3A_16 = arith.addi %scan3A_14, %scan3A_15 : i32
    %scan3A_17 = arith.constant 1 : i32
    scf.for %scan3A_42 = %scan3A_14 to %scan3A_16 step %scan3A_17  : i32 {
      %mul3A_43 = arith.constant 128 : i32
      %mul3A_44 = arith.muli %scan3A_42, %mul3A_43 : i32
      %add3A_45 = arith.addi %mul3A_12, %mul3A_44 : i32
      %mul3A_46 = arith.constant 320000 : i32
      %mul3A_47 = arith.muli %arg0, %mul3A_46 : i32
      %add3A_48 = arith.addi %mul3A_47, %add3A_45 : i32
      "tpu.region"() ({
        %run_scoped3A = tpu.sem_alloc : memref<!tpu.dma_semaphore, #tpu.memory_space<semaphore_mem>>
        %dma_start3A = tpu.memref_slice %arg3[%add3A_48] : memref<640000xi32, #tpu.memory_space<hbm>> -> memref<128xi32, #tpu.memory_space<hbm>>
        %dma_start3A_54 = tpu.memref_slice %arg3[%add3A_48] : memref<640000xi32, #tpu.memory_space<hbm>> -> memref<128xi32, #tpu.memory_space<hbm>>
        tpu.enqueue_dma source(%dma_start3A_54 : memref<128xi32, #tpu.memory_space<hbm>>) target(%arg10 : memref<128xi32, #tpu.memory_space<vmem>>) target_semaphore(%run_scoped3A : memref<!tpu.dma_semaphore, #tpu.memory_space<semaphore_mem>>)
        %dma_wait3A = tpu.memref_slice %arg3[%add3A_48] : memref<640000xi32, #tpu.memory_space<hbm>> -> memref<128xi32, #tpu.memory_space<hbm>>
        %dma_wait3A_55 = tpu.memref_slice %arg3[%add3A_48] : memref<640000xi32, #tpu.memory_space<hbm>> -> memref<128xi32, #tpu.memory_space<hbm>>
        tpu.wait_dma2 semaphore(%run_scoped3A : memref<!tpu.dma_semaphore, #tpu.memory_space<semaphore_mem>>) src(%dma_wait3A_55 : memref<128xi32, #tpu.memory_space<hbm>>) dst(%arg10 : memref<128xi32, #tpu.memory_space<vmem>>)
        tpu.yield
      }) : () -> ()
      "tpu.region"() ({
        %run_scoped3A = tpu.sem_alloc : memref<!tpu.dma_semaphore, #tpu.memory_space<semaphore_mem>>
        %dma_start3A = arith.constant 0 : i32
        %dma_start3A_54 = tpu.memref_slice %arg2[%add3A_45, %dma_start3A] : memref<320000x128xf32, #tpu.memory_space<hbm>> -> memref<128x128xf32, #tpu.memory_space<hbm>>
        %dma_start3A_55 = arith.constant 0 : i32
        %dma_start3A_56 = tpu.memref_slice %arg2[%add3A_45, %dma_start3A_55] : memref<320000x128xf32, #tpu.memory_space<hbm>> -> memref<128x128xf32, #tpu.memory_space<hbm>>
        tpu.enqueue_dma source(%dma_start3A_56 : memref<128x128xf32, #tpu.memory_space<hbm>>) target(%arg9 : memref<128x128xf32, #tpu.memory_space<vmem>>) target_semaphore(%run_scoped3A : memref<!tpu.dma_semaphore, #tpu.memory_space<semaphore_mem>>)
        %dma_wait3A = arith.constant 0 : i32
        %dma_wait3A_57 = tpu.memref_slice %arg2[%add3A_45, %dma_wait3A] : memref<320000x128xf32, #tpu.memory_space<hbm>> -> memref<128x128xf32, #tpu.memory_space<hbm>>
        %dma_wait3A_58 = arith.constant 0 : i32
        %dma_wait3A_59 = tpu.memref_slice %arg2[%add3A_45, %dma_wait3A_58] : memref<320000x128xf32, #tpu.memory_space<hbm>> -> memref<128x128xf32, #tpu.memory_space<hbm>>
        tpu.wait_dma2 semaphore(%run_scoped3A : memref<!tpu.dma_semaphore, #tpu.memory_space<semaphore_mem>>) src(%dma_wait3A_59 : memref<128x128xf32, #tpu.memory_space<hbm>>) dst(%arg9 : memref<128x128xf32, #tpu.memory_space<vmem>>)
        tpu.yield
      }) : () -> ()
      "tpu.region"() ({
        %run_scoped3A = tpu.sem_alloc : memref<!tpu.dma_semaphore, #tpu.memory_space<semaphore_mem>>
        %dma_start3A = arith.constant 0 : i32
        %dma_start3A_54 = arith.constant 0 : i32
        %dma_start3A_55 = tpu.memref_slice %arg14[%dma_start3A, %dma_start3A_54] : memref<10240x128xf32, #tpu.memory_space<vmem_shared>> -> memref<10240x128xf32, #tpu.memory_space<vmem_shared>>
        tpu.enqueue_indirect_dma source(%arg9 : memref<128x128xf32, #tpu.memory_space<vmem>>) target(%dma_start3A_55 : memref<10240x128xf32, #tpu.memory_space<vmem_shared>>) offsets(%arg10 : memref<128xi32, #tpu.memory_space<vmem>>) semaphore(%run_scoped3A : memref<!tpu.dma_semaphore, #tpu.memory_space<semaphore_mem>>) {add = true}
        %dma_wait3A = arith.constant 0 : i32
        %dma_wait3A_56 = arith.constant 0 : i32
        %dma_wait3A_57 = tpu.memref_slice %arg14[%dma_wait3A, %dma_wait3A_56] : memref<10240x128xf32, #tpu.memory_space<vmem_shared>> -> memref<10240x128xf32, #tpu.memory_space<vmem_shared>>
        tpu.wait_indirect_dma semaphore(%run_scoped3A : memref<!tpu.dma_semaphore, #tpu.memory_space<semaphore_mem>>) src(%arg9 : memref<128x128xf32, #tpu.memory_space<vmem>>) dst(%dma_wait3A_57 : memref<10240x128xf32, #tpu.memory_space<vmem_shared>>)
        tpu.yield
      }) : () -> ()
      %eq3A_49 = arith.constant 0 : i32
      %eq3A_50 = arith.cmpi eq, %arg0, %eq3A_49 : i32
      %convert_element_type3A_51 = arith.extui %eq3A_50 : i1 to i32
      %cond3A_52 = arith.constant 0 : i32
      %cond3A_53 = arith.cmpi ne, %convert_element_type3A_51, %cond3A_52 : i32
      scf.if %cond3A_53 {
        %get3A = arith.constant 0 : index
        %get3A_54 = tpu.vector_load %arg10[%get3A] {strides = array<i32>} : memref<128xi32, #tpu.memory_space<vmem>>, vector<16xi32>,
        %shift_right_logical3A = arith.constant 7 : i32
        %shift_right_logical3A_55 = vector.broadcast %shift_right_logical3A : i32 to vector<16xi32>
        %shift_right_logical3A_56 = arith.shrui %get3A_54, %shift_right_logical3A_55 : vector<16xi32>
        %and3A_57 = arith.andi %get3A_54, %broadcast_in_dim3A_1 : vector<16xi32>
        tpu.vector_store_idx %arg12[%shift_right_logical3A_56, %and3A_57], %broadcast_in_dim3A_3 {add = true} : memref<80x128xf32, #tpu.memory_space<vmem>>[vector<16xi32>, vector<16xi32>], vector<16xf32>,
        %get3A_58 = arith.constant 16 : index
        %get3A_59 = tpu.vector_load %arg10[%get3A_58] {strides = array<i32>} : memref<128xi32, #tpu.memory_space<vmem>>, vector<16xi32>,
        %shift_right_logical3A_60 = arith.constant 7 : i32
        %shift_right_logical3A_61 = vector.broadcast %shift_right_logical3A_60 : i32 to vector<16xi32>
        %shift_right_logical3A_62 = arith.shrui %get3A_59, %shift_right_logical3A_61 : vector<16xi32>
        %and3A_63 = arith.andi %get3A_59, %broadcast_in_dim3A_1 : vector<16xi32>
        tpu.vector_store_idx %arg12[%shift_right_logical3A_62, %and3A_63], %broadcast_in_dim3A_3 {add = true} : memref<80x128xf32, #tpu.memory_space<vmem>>[vector<16xi32>, vector<16xi32>], vector<16xf32>,
        %get3A_64 = arith.constant 32 : index
        %get3A_65 = tpu.vector_load %arg10[%get3A_64] {strides = array<i32>} : memref<128xi32, #tpu.memory_space<vmem>>, vector<16xi32>,
        %shift_right_logical3A_66 = arith.constant 7 : i32
        %shift_right_logical3A_67 = vector.broadcast %shift_right_logical3A_66 : i32 to vector<16xi32>
        %shift_right_logical3A_68 = arith.shrui %get3A_65, %shift_right_logical3A_67 : vector<16xi32>
        %and3A_69 = arith.andi %get3A_65, %broadcast_in_dim3A_1 : vector<16xi32>
        tpu.vector_store_idx %arg12[%shift_right_logical3A_68, %and3A_69], %broadcast_in_dim3A_3 {add = true} : memref<80x128xf32, #tpu.memory_space<vmem>>[vector<16xi32>, vector<16xi32>], vector<16xf32>,
        %get3A_70 = arith.constant 48 : index
        %get3A_71 = tpu.vector_load %arg10[%get3A_70] {strides = array<i32>} : memref<128xi32, #tpu.memory_space<vmem>>, vector<16xi32>,
        %shift_right_logical3A_72 = arith.constant 7 : i32
        %shift_right_logical3A_73 = vector.broadcast %shift_right_logical3A_72 : i32 to vector<16xi32>
        %shift_right_logical3A_74 = arith.shrui %get3A_71, %shift_right_logical3A_73 : vector<16xi32>
        %and3A_75 = arith.andi %get3A_71, %broadcast_in_dim3A_1 : vector<16xi32>
        tpu.vector_store_idx %arg12[%shift_right_logical3A_74, %and3A_75], %broadcast_in_dim3A_3 {add = true} : memref<80x128xf32, #tpu.memory_space<vmem>>[vector<16xi32>, vector<16xi32>], vector<16xf32>,
        %get3A_76 = arith.constant 64 : index
        %get3A_77 = tpu.vector_load %arg10[%get3A_76] {strides = array<i32>} : memref<128xi32, #tpu.memory_space<vmem>>, vector<16xi32>,
        %shift_right_logical3A_78 = arith.constant 7 : i32
        %shift_right_logical3A_79 = vector.broadcast %shift_right_logical3A_78 : i32 to vector<16xi32>
        %shift_right_logical3A_80 = arith.shrui %get3A_77, %shift_right_logical3A_79 : vector<16xi32>
        %and3A_81 = arith.andi %get3A_77, %broadcast_in_dim3A_1 : vector<16xi32>
        tpu.vector_store_idx %arg12[%shift_right_logical3A_80, %and3A_81], %broadcast_in_dim3A_3 {add = true} : memref<80x128xf32, #tpu.memory_space<vmem>>[vector<16xi32>, vector<16xi32>], vector<16xf32>,
        %get3A_82 = arith.constant 80 : index
        %get3A_83 = tpu.vector_load %arg10[%get3A_82] {strides = array<i32>} : memref<128xi32, #tpu.memory_space<vmem>>, vector<16xi32>,
        %shift_right_logical3A_84 = arith.constant 7 : i32
        %shift_right_logical3A_85 = vector.broadcast %shift_right_logical3A_84 : i32 to vector<16xi32>
        %shift_right_logical3A_86 = arith.shrui %get3A_83, %shift_right_logical3A_85 : vector<16xi32>
        %and3A_87 = arith.andi %get3A_83, %broadcast_in_dim3A_1 : vector<16xi32>
        tpu.vector_store_idx %arg12[%shift_right_logical3A_86, %and3A_87], %broadcast_in_dim3A_3 {add = true} : memref<80x128xf32, #tpu.memory_space<vmem>>[vector<16xi32>, vector<16xi32>], vector<16xf32>,
        %get3A_88 = arith.constant 96 : index
        %get3A_89 = tpu.vector_load %arg10[%get3A_88] {strides = array<i32>} : memref<128xi32, #tpu.memory_space<vmem>>, vector<16xi32>,
        %shift_right_logical3A_90 = arith.constant 7 : i32
        %shift_right_logical3A_91 = vector.broadcast %shift_right_logical3A_90 : i32 to vector<16xi32>
        %shift_right_logical3A_92 = arith.shrui %get3A_89, %shift_right_logical3A_91 : vector<16xi32>
        %and3A_93 = arith.andi %get3A_89, %broadcast_in_dim3A_1 : vector<16xi32>
        tpu.vector_store_idx %arg12[%shift_right_logical3A_92, %and3A_93], %broadcast_in_dim3A_3 {add = true} : memref<80x128xf32, #tpu.memory_space<vmem>>[vector<16xi32>, vector<16xi32>], vector<16xf32>,
        %get3A_94 = arith.constant 112 : index
        %get3A_95 = tpu.vector_load %arg10[%get3A_94] {strides = array<i32>} : memref<128xi32, #tpu.memory_space<vmem>>, vector<16xi32>,
        %shift_right_logical3A_96 = arith.constant 7 : i32
        %shift_right_logical3A_97 = vector.broadcast %shift_right_logical3A_96 : i32 to vector<16xi32>
        %shift_right_logical3A_98 = arith.shrui %get3A_95, %shift_right_logical3A_97 : vector<16xi32>
        %and3A_99 = arith.andi %get3A_95, %broadcast_in_dim3A_1 : vector<16xi32>
        tpu.vector_store_idx %arg12[%shift_right_logical3A_98, %and3A_99], %broadcast_in_dim3A_3 {add = true} : memref<80x128xf32, #tpu.memory_space<vmem>>[vector<16xi32>, vector<16xi32>], vector<16xf32>,
      } else {
      }
    }
    %scan3A_18 = arith.constant 156 : i32
    %add3A = arith.constant 19968 : i32
    %add3A_19 = arith.addi %mul3A_12, %add3A : i32
    %mul3A_20 = arith.constant 320000 : i32
    %mul3A_21 = arith.muli %arg0, %mul3A_20 : i32
    %add3A_22 = arith.addi %mul3A_21, %add3A_19 : i32
    "tpu.region"() ({
      %run_scoped3A = tpu.sem_alloc : memref<!tpu.dma_semaphore, #tpu.memory_space<semaphore_mem>>
      %dma_start3A = tpu.memref_slice %arg3[%add3A_22] : memref<640000xi32, #tpu.memory_space<hbm>> -> memref<32xi32, #tpu.memory_space<hbm>>
      %dma_start3A_42 = tpu.memref_slice %arg3[%add3A_22] : memref<640000xi32, #tpu.memory_space<hbm>> -> memref<32xi32, #tpu.memory_space<hbm>>
      tpu.enqueue_dma source(%dma_start3A_42 : memref<32xi32, #tpu.memory_space<hbm>>) target(%arg11 : memref<32xi32, #tpu.memory_space<vmem>>) target_semaphore(%run_scoped3A : memref<!tpu.dma_semaphore, #tpu.memory_space<semaphore_mem>>)
      %dma_wait3A = tpu.memref_slice %arg3[%add3A_22] : memref<640000xi32, #tpu.memory_space<hbm>> -> memref<32xi32, #tpu.memory_space<hbm>>
      %dma_wait3A_43 = tpu.memref_slice %arg3[%add3A_22] : memref<640000xi32, #tpu.memory_space<hbm>> -> memref<32xi32, #tpu.memory_space<hbm>>
      tpu.wait_dma2 semaphore(%run_scoped3A : memref<!tpu.dma_semaphore, #tpu.memory_space<semaphore_mem>>) src(%dma_wait3A_43 : memref<32xi32, #tpu.memory_space<hbm>>) dst(%arg11 : memref<32xi32, #tpu.memory_space<vmem>>)
      tpu.yield
    }) : () -> ()
    "tpu.region"() ({
      %run_scoped3A = tpu.sem_alloc : memref<!tpu.dma_semaphore, #tpu.memory_space<semaphore_mem>>
      %dma_start3A = arith.constant 0 : i32
      %dma_start3A_42 = arith.constant 0 : i32
      %dma_start3A_43 = tpu.memref_slice %arg9[%dma_start3A, %dma_start3A_42] : memref<128x128xf32, #tpu.memory_space<vmem>> -> memref<32x128xf32, #tpu.memory_space<vmem>>
      %dma_start3A_44 = arith.constant 0 : i32
      %dma_start3A_45 = tpu.memref_slice %arg2[%add3A_19, %dma_start3A_44] : memref<320000x128xf32, #tpu.memory_space<hbm>> -> memref<32x128xf32, #tpu.memory_space<hbm>>
      %dma_start3A_46 = arith.constant 0 : i32
      %dma_start3A_47 = arith.constant 0 : i32
      %dma_start3A_48 = tpu.memref_slice %arg9[%dma_start3A_46, %dma_start3A_47] : memref<128x128xf32, #tpu.memory_space<vmem>> -> memref<32x128xf32, #tpu.memory_space<vmem>>
      %dma_start3A_49 = arith.constant 0 : i32
      %dma_start3A_50 = tpu.memref_slice %arg2[%add3A_19, %dma_start3A_49] : memref<320000x128xf32, #tpu.memory_space<hbm>> -> memref<32x128xf32, #tpu.memory_space<hbm>>
      tpu.enqueue_dma source(%dma_start3A_50 : memref<32x128xf32, #tpu.memory_space<hbm>>) target(%dma_start3A_48 : memref<32x128xf32, #tpu.memory_space<vmem>>) target_semaphore(%run_scoped3A : memref<!tpu.dma_semaphore, #tpu.memory_space<semaphore_mem>>)
      %dma_wait3A = arith.constant 0 : i32
      %dma_wait3A_51 = arith.constant 0 : i32
      %dma_wait3A_52 = tpu.memref_slice %arg9[%dma_wait3A, %dma_wait3A_51] : memref<128x128xf32, #tpu.memory_space<vmem>> -> memref<32x128xf32, #tpu.memory_space<vmem>>
      %dma_wait3A_53 = arith.constant 0 : i32
      %dma_wait3A_54 = tpu.memref_slice %arg2[%add3A_19, %dma_wait3A_53] : memref<320000x128xf32, #tpu.memory_space<hbm>> -> memref<32x128xf32, #tpu.memory_space<hbm>>
      %dma_wait3A_55 = arith.constant 0 : i32
      %dma_wait3A_56 = arith.constant 0 : i32
      %dma_wait3A_57 = tpu.memref_slice %arg9[%dma_wait3A_55, %dma_wait3A_56] : memref<128x128xf32, #tpu.memory_space<vmem>> -> memref<32x128xf32, #tpu.memory_space<vmem>>
      %dma_wait3A_58 = arith.constant 0 : i32
      %dma_wait3A_59 = tpu.memref_slice %arg2[%add3A_19, %dma_wait3A_58] : memref<320000x128xf32, #tpu.memory_space<hbm>> -> memref<32x128xf32, #tpu.memory_space<hbm>>
      tpu.wait_dma2 semaphore(%run_scoped3A : memref<!tpu.dma_semaphore, #tpu.memory_space<semaphore_mem>>) src(%dma_wait3A_59 : memref<32x128xf32, #tpu.memory_space<hbm>>) dst(%dma_wait3A_57 : memref<32x128xf32, #tpu.memory_space<vmem>>)
      tpu.yield
    }) : () -> ()
    "tpu.region"() ({
      %run_scoped3A = tpu.sem_alloc : memref<!tpu.dma_semaphore, #tpu.memory_space<semaphore_mem>>
      %dma_start3A = arith.constant 0 : i32
      %dma_start3A_42 = arith.constant 0 : i32
      %dma_start3A_43 = tpu.memref_slice %arg9[%dma_start3A, %dma_start3A_42] : memref<128x128xf32, #tpu.memory_space<vmem>> -> memref<32x128xf32, #tpu.memory_space<vmem>>
      %dma_start3A_44 = arith.constant 0 : i32
      %dma_start3A_45 = arith.constant 0 : i32
      %dma_start3A_46 = tpu.memref_slice %arg14[%dma_start3A_44, %dma_start3A_45] : memref<10240x128xf32, #tpu.memory_space<vmem_shared>> -> memref<10240x128xf32, #tpu.memory_space<vmem_shared>>
      tpu.enqueue_indirect_dma source(%dma_start3A_43 : memref<32x128xf32, #tpu.memory_space<vmem>>) target(%dma_start3A_46 : memref<10240x128xf32, #tpu.memory_space<vmem_shared>>) offsets(%arg11 : memref<32xi32, #tpu.memory_space<vmem>>) semaphore(%run_scoped3A : memref<!tpu.dma_semaphore, #tpu.memory_space<semaphore_mem>>) {add = true}
      %dma_wait3A = arith.constant 0 : i32
      %dma_wait3A_47 = arith.constant 0 : i32
      %dma_wait3A_48 = tpu.memref_slice %arg9[%dma_wait3A, %dma_wait3A_47] : memref<128x128xf32, #tpu.memory_space<vmem>> -> memref<32x128xf32, #tpu.memory_space<vmem>>
      %dma_wait3A_49 = arith.constant 0 : i32
      %dma_wait3A_50 = arith.constant 0 : i32
      %dma_wait3A_51 = tpu.memref_slice %arg14[%dma_wait3A_49, %dma_wait3A_50] : memref<10240x128xf32, #tpu.memory_space<vmem_shared>> -> memref<10240x128xf32, #tpu.memory_space<vmem_shared>>
      tpu.wait_indirect_dma semaphore(%run_scoped3A : memref<!tpu.dma_semaphore, #tpu.memory_space<semaphore_mem>>) src(%dma_wait3A_48 : memref<32x128xf32, #tpu.memory_space<vmem>>) dst(%dma_wait3A_51 : memref<10240x128xf32, #tpu.memory_space<vmem_shared>>)
      tpu.yield
    }) : () -> ()
    %eq3A_23 = arith.constant 0 : i32
    %eq3A_24 = arith.cmpi eq, %arg0, %eq3A_23 : i32
    %convert_element_type3A_25 = arith.extui %eq3A_24 : i1 to i32
    %cond3A_26 = arith.constant 0 : i32
    %cond3A_27 = arith.cmpi ne, %convert_element_type3A_25, %cond3A_26 : i32
    scf.if %cond3A_27 {
      %get3A = arith.constant 0 : index
      %get3A_42 = tpu.vector_load %arg11[%get3A] {strides = array<i32>} : memref<32xi32, #tpu.memory_space<vmem>>, vector<16xi32>,
      %shift_right_logical3A = arith.constant 7 : i32
      %shift_right_logical3A_43 = vector.broadcast %shift_right_logical3A : i32 to vector<16xi32>
      %shift_right_logical3A_44 = arith.shrui %get3A_42, %shift_right_logical3A_43 : vector<16xi32>
      %and3A_45 = arith.andi %get3A_42, %broadcast_in_dim3A_1 : vector<16xi32>
      tpu.vector_store_idx %arg12[%shift_right_logical3A_44, %and3A_45], %broadcast_in_dim3A_3 {add = true} : memref<80x128xf32, #tpu.memory_space<vmem>>[vector<16xi32>, vector<16xi32>], vector<16xf32>,
      %get3A_46 = arith.constant 16 : index
      %get3A_47 = tpu.vector_load %arg11[%get3A_46] {strides = array<i32>} : memref<32xi32, #tpu.memory_space<vmem>>, vector<16xi32>,
      %shift_right_logical3A_48 = arith.constant 7 : i32
      %shift_right_logical3A_49 = vector.broadcast %shift_right_logical3A_48 : i32 to vector<16xi32>
      %shift_right_logical3A_50 = arith.shrui %get3A_47, %shift_right_logical3A_49 : vector<16xi32>
      %and3A_51 = arith.andi %get3A_47, %broadcast_in_dim3A_1 : vector<16xi32>
      tpu.vector_store_idx %arg12[%shift_right_logical3A_50, %and3A_51], %broadcast_in_dim3A_3 {add = true} : memref<80x128xf32, #tpu.memory_space<vmem>>[vector<16xi32>, vector<16xi32>], vector<16xf32>,
      "tpu.region"() ({
        %run_scoped3A = tpu.sem_alloc : memref<!tpu.dma_semaphore, #tpu.memory_space<semaphore_mem>>
        %dma_start3A = arith.constant 0 : i32
        %dma_start3A_52 = arith.constant 0 : i32
        %dma_start3A_53 = tpu.memref_slice %arg15[%dma_start3A, %dma_start3A_52] : memref<80x128xf32, #tpu.memory_space<vmem_shared>> -> memref<80x128xf32, #tpu.memory_space<vmem_shared>>
        tpu.enqueue_indirect_dma source(%arg12 : memref<80x128xf32, #tpu.memory_space<vmem>>) target(%dma_start3A_53 : memref<80x128xf32, #tpu.memory_space<vmem_shared>>) offsets(%arg13 : memref<80xi32, #tpu.memory_space<vmem>>) semaphore(%run_scoped3A : memref<!tpu.dma_semaphore, #tpu.memory_space<semaphore_mem>>) {add = true}
        %dma_wait3A = arith.constant 0 : i32
        %dma_wait3A_54 = arith.constant 0 : i32
        %dma_wait3A_55 = tpu.memref_slice %arg15[%dma_wait3A, %dma_wait3A_54] : memref<80x128xf32, #tpu.memory_space<vmem_shared>> -> memref<80x128xf32, #tpu.memory_space<vmem_shared>>
        tpu.wait_indirect_dma semaphore(%run_scoped3A : memref<!tpu.dma_semaphore, #tpu.memory_space<semaphore_mem>>) src(%arg12 : memref<80x128xf32, #tpu.memory_space<vmem>>) dst(%dma_wait3A_55 : memref<80x128xf32, #tpu.memory_space<vmem_shared>>)
        tpu.yield
      }) : () -> ()
    } else {
    }
    %barrier3A_28 = arith.constant 0 : index
    tpu.barrier barrier_id(%barrier3A_28)
    %scan3A_29 = arith.constant 0 : i32
    %scan3A_30 = arith.constant 0 : i32
    %scan3A_31 = arith.constant 5 : i32
    %scan3A_32 = arith.addi %scan3A_30, %scan3A_31 : i32
    %scan3A_33 = arith.constant 1 : i32
    scf.for %scan3A_42 = %scan3A_30 to %scan3A_32 step %scan3A_33  : i32 {
      %mul3A_43 = arith.constant 128 : i32
      %mul3A_44 = arith.muli %scan3A_42, %mul3A_43 : i32
      %add3A_45 = arith.addi %mul3A_0, %mul3A_44 : i32
      "tpu.region"() ({
        %run_scoped3A = tpu.sem_alloc : memref<!tpu.dma_semaphore, #tpu.memory_space<semaphore_mem>>
        %dma_start3A = arith.constant 0 : i32
        %dma_start3A_56 = tpu.memref_slice %arg14[%add3A_45, %dma_start3A] : memref<10240x128xf32, #tpu.memory_space<vmem_shared>> -> memref<128x128xf32, #tpu.memory_space<vmem_shared>>
        %dma_start3A_57 = arith.constant 0 : i32
        %dma_start3A_58 = tpu.memref_slice %arg14[%add3A_45, %dma_start3A_57] : memref<10240x128xf32, #tpu.memory_space<vmem_shared>> -> memref<128x128xf32, #tpu.memory_space<vmem_shared>>
        tpu.enqueue_dma source(%dma_start3A_58 : memref<128x128xf32, #tpu.memory_space<vmem_shared>>) target(%arg9 : memref<128x128xf32, #tpu.memory_space<vmem>>) target_semaphore(%run_scoped3A : memref<!tpu.dma_semaphore, #tpu.memory_space<semaphore_mem>>)
        %dma_wait3A = arith.constant 0 : i32
        %dma_wait3A_59 = tpu.memref_slice %arg14[%add3A_45, %dma_wait3A] : memref<10240x128xf32, #tpu.memory_space<vmem_shared>> -> memref<128x128xf32, #tpu.memory_space<vmem_shared>>
        %dma_wait3A_60 = arith.constant 0 : i32
        %dma_wait3A_61 = tpu.memref_slice %arg14[%add3A_45, %dma_wait3A_60] : memref<10240x128xf32, #tpu.memory_space<vmem_shared>> -> memref<128x128xf32, #tpu.memory_space<vmem_shared>>
        tpu.wait_dma2 semaphore(%run_scoped3A : memref<!tpu.dma_semaphore, #tpu.memory_space<semaphore_mem>>) src(%dma_wait3A_61 : memref<128x128xf32, #tpu.memory_space<vmem_shared>>) dst(%arg9 : memref<128x128xf32, #tpu.memory_space<vmem>>)
        tpu.yield
      }) : () -> ()
      %eq3A_46 = arith.constant 0 : i32
      %eq3A_47 = arith.cmpi eq, %arg0, %eq3A_46 : i32
      %convert_element_type3A_48 = arith.extui %eq3A_47 : i1 to i32
      %cond3A_49 = arith.constant 0 : i32
      %cond3A_50 = arith.cmpi ne, %convert_element_type3A_48, %cond3A_49 : i32
      scf.if %cond3A_50 {
        "tpu.region"() ({
          %run_scoped3A = tpu.sem_alloc : memref<!tpu.dma_semaphore, #tpu.memory_space<semaphore_mem>>
          %dma_start3A = arith.constant 0 : i32
          %dma_start3A_56 = tpu.memref_slice %arg6[%add3A_45, %dma_start3A] : memref<10240x128xf32, #tpu.memory_space<hbm>> -> memref<128x128xf32, #tpu.memory_space<hbm>>
          %dma_start3A_57 = arith.constant 0 : i32
          %dma_start3A_58 = tpu.memref_slice %arg6[%add3A_45, %dma_start3A_57] : memref<10240x128xf32, #tpu.memory_space<hbm>> -> memref<128x128xf32, #tpu.memory_space<hbm>>
          tpu.enqueue_dma source(%arg9 : memref<128x128xf32, #tpu.memory_space<vmem>>) target(%dma_start3A_58 : memref<128x128xf32, #tpu.memory_space<hbm>>) target_semaphore(%run_scoped3A : memref<!tpu.dma_semaphore, #tpu.memory_space<semaphore_mem>>)
          %dma_wait3A = arith.constant 0 : i32
          %dma_wait3A_59 = tpu.memref_slice %arg6[%add3A_45, %dma_wait3A] : memref<10240x128xf32, #tpu.memory_space<hbm>> -> memref<128x128xf32, #tpu.memory_space<hbm>>
          %dma_wait3A_60 = arith.constant 0 : i32
          %dma_wait3A_61 = tpu.memref_slice %arg6[%add3A_45, %dma_wait3A_60] : memref<10240x128xf32, #tpu.memory_space<hbm>> -> memref<128x128xf32, #tpu.memory_space<hbm>>
          tpu.wait_dma2 semaphore(%run_scoped3A : memref<!tpu.dma_semaphore, #tpu.memory_space<semaphore_mem>>) src(%arg9 : memref<128x128xf32, #tpu.memory_space<vmem>>) dst(%dma_wait3A_61 : memref<128x128xf32, #tpu.memory_space<hbm>>)
          tpu.yield
        }) : () -> ()
      } else {
      }
      %eq3A_51 = arith.constant 1 : i32
      %eq3A_52 = arith.cmpi eq, %arg0, %eq3A_51 : i32
      %convert_element_type3A_53 = arith.extui %eq3A_52 : i1 to i32
      %cond3A_54 = arith.constant 0 : i32
      %cond3A_55 = arith.cmpi ne, %convert_element_type3A_53, %cond3A_54 : i32
      scf.if %cond3A_55 {
        "tpu.region"() ({
          %run_scoped3A = tpu.sem_alloc : memref<!tpu.dma_semaphore, #tpu.memory_space<semaphore_mem>>
          %dma_start3A = arith.constant 0 : i32
          %dma_start3A_56 = tpu.memref_slice %arg7[%add3A_45, %dma_start3A] : memref<10240x128xf32, #tpu.memory_space<hbm>> -> memref<128x128xf32, #tpu.memory_space<hbm>>
          %dma_start3A_57 = arith.constant 0 : i32
          %dma_start3A_58 = tpu.memref_slice %arg7[%add3A_45, %dma_start3A_57] : memref<10240x128xf32, #tpu.memory_space<hbm>> -> memref<128x128xf32, #tpu.memory_space<hbm>>
          tpu.enqueue_dma source(%arg9 : memref<128x128xf32, #tpu.memory_space<vmem>>) target(%dma_start3A_58 : memref<128x128xf32, #tpu.memory_space<hbm>>) target_semaphore(%run_scoped3A : memref<!tpu.dma_semaphore, #tpu.memory_space<semaphore_mem>>)
          %dma_wait3A = arith.constant 0 : i32
          %dma_wait3A_59 = tpu.memref_slice %arg7[%add3A_45, %dma_wait3A] : memref<10240x128xf32, #tpu.memory_space<hbm>> -> memref<128x128xf32, #tpu.memory_space<hbm>>
          %dma_wait3A_60 = arith.constant 0 : i32
          %dma_wait3A_61 = tpu.memref_slice %arg7[%add3A_45, %dma_wait3A_60] : memref<10240x128xf32, #tpu.memory_space<hbm>> -> memref<128x128xf32, #tpu.memory_space<hbm>>
          tpu.wait_dma2 semaphore(%run_scoped3A : memref<!tpu.dma_semaphore, #tpu.memory_space<semaphore_mem>>) src(%arg9 : memref<128x128xf32, #tpu.memory_space<vmem>>) dst(%dma_wait3A_61 : memref<128x128xf32, #tpu.memory_space<hbm>>)
          tpu.yield
        }) : () -> ()
      } else {
      }
    }
    %scan3A_34 = arith.constant 5 : i32
    %eq3A_35 = arith.constant 0 : i32
    %eq3A_36 = arith.cmpi eq, %arg0, %eq3A_35 : i32
    %eq3A_37 = arith.constant 0 : i32
    %eq3A_38 = arith.cmpi eq, %arg1, %eq3A_37 : i32
    %and3A = arith.andi %eq3A_36, %eq3A_38 : i1
    %convert_element_type3A_39 = arith.extui %and3A : i1 to i32
    %cond3A_40 = arith.constant 0 : i32
    %cond3A_41 = arith.cmpi ne, %convert_element_type3A_39, %cond3A_40 : i32
    scf.if %cond3A_41 {
      "tpu.region"() ({
        %run_scoped3A = tpu.sem_alloc : memref<!tpu.dma_semaphore, #tpu.memory_space<semaphore_mem>>
        %dma_start3A = arith.constant 0 : i32
        %dma_start3A_42 = arith.constant 0 : i32
        %dma_start3A_43 = tpu.memref_slice %arg9[%dma_start3A, %dma_start3A_42] : memref<128x128xf32, #tpu.memory_space<vmem>> -> memref<80x128xf32, #tpu.memory_space<vmem>>
        %dma_start3A_44 = arith.constant 0 : i32
        %dma_start3A_45 = arith.constant 0 : i32
        %dma_start3A_46 = tpu.memref_slice %arg15[%dma_start3A_44, %dma_start3A_45] : memref<80x128xf32, #tpu.memory_space<vmem_shared>> -> memref<80x128xf32, #tpu.memory_space<vmem_shared>>
        %dma_start3A_47 = arith.constant 0 : i32
        %dma_start3A_48 = arith.constant 0 : i32
        %dma_start3A_49 = tpu.memref_slice %arg9[%dma_start3A_47, %dma_start3A_48] : memref<128x128xf32, #tpu.memory_space<vmem>> -> memref<80x128xf32, #tpu.memory_space<vmem>>
        %dma_start3A_50 = arith.constant 0 : i32
        %dma_start3A_51 = arith.constant 0 : i32
        %dma_start3A_52 = tpu.memref_slice %arg15[%dma_start3A_50, %dma_start3A_51] : memref<80x128xf32, #tpu.memory_space<vmem_shared>> -> memref<80x128xf32, #tpu.memory_space<vmem_shared>>
        tpu.enqueue_dma source(%dma_start3A_52 : memref<80x128xf32, #tpu.memory_space<vmem_shared>>) target(%dma_start3A_49 : memref<80x128xf32, #tpu.memory_space<vmem>>) target_semaphore(%run_scoped3A : memref<!tpu.dma_semaphore, #tpu.memory_space<semaphore_mem>>)
        %dma_wait3A = arith.constant 0 : i32
        %dma_wait3A_53 = arith.constant 0 : i32
        %dma_wait3A_54 = tpu.memref_slice %arg9[%dma_wait3A, %dma_wait3A_53] : memref<128x128xf32, #tpu.memory_space<vmem>> -> memref<80x128xf32, #tpu.memory_space<vmem>>
        %dma_wait3A_55 = arith.constant 0 : i32
        %dma_wait3A_56 = arith.constant 0 : i32
        %dma_wait3A_57 = tpu.memref_slice %arg15[%dma_wait3A_55, %dma_wait3A_56] : memref<80x128xf32, #tpu.memory_space<vmem_shared>> -> memref<80x128xf32, #tpu.memory_space<vmem_shared>>
        %dma_wait3A_58 = arith.constant 0 : i32
        %dma_wait3A_59 = arith.constant 0 : i32
        %dma_wait3A_60 = tpu.memref_slice %arg9[%dma_wait3A_58, %dma_wait3A_59] : memref<128x128xf32, #tpu.memory_space<vmem>> -> memref<80x128xf32, #tpu.memory_space<vmem>>
        %dma_wait3A_61 = arith.constant 0 : i32
        %dma_wait3A_62 = arith.constant 0 : i32
        %dma_wait3A_63 = tpu.memref_slice %arg15[%dma_wait3A_61, %dma_wait3A_62] : memref<80x128xf32, #tpu.memory_space<vmem_shared>> -> memref<80x128xf32, #tpu.memory_space<vmem_shared>>
        tpu.wait_dma2 semaphore(%run_scoped3A : memref<!tpu.dma_semaphore, #tpu.memory_space<semaphore_mem>>) src(%dma_wait3A_63 : memref<80x128xf32, #tpu.memory_space<vmem_shared>>) dst(%dma_wait3A_60 : memref<80x128xf32, #tpu.memory_space<vmem>>)
        tpu.yield
      }) : () -> ()
      "tpu.region"() ({
        %run_scoped3A = tpu.sem_alloc : memref<!tpu.dma_semaphore, #tpu.memory_space<semaphore_mem>>
        %dma_start3A = arith.constant 0 : i32
        %dma_start3A_42 = arith.constant 0 : i32
        %dma_start3A_43 = tpu.memref_slice %arg9[%dma_start3A, %dma_start3A_42] : memref<128x128xf32, #tpu.memory_space<vmem>> -> memref<80x128xf32, #tpu.memory_space<vmem>>
        %dma_start3A_44 = arith.constant 0 : i32
        %dma_start3A_45 = arith.constant 0 : i32
        %dma_start3A_46 = tpu.memref_slice %arg9[%dma_start3A_44, %dma_start3A_45] : memref<128x128xf32, #tpu.memory_space<vmem>> -> memref<80x128xf32, #tpu.memory_space<vmem>>
        tpu.enqueue_dma source(%dma_start3A_46 : memref<80x128xf32, #tpu.memory_space<vmem>>) target(%arg8 : memref<80x128xf32, #tpu.memory_space<hbm>>) target_semaphore(%run_scoped3A : memref<!tpu.dma_semaphore, #tpu.memory_space<semaphore_mem>>)
        %dma_wait3A = arith.constant 0 : i32
        %dma_wait3A_47 = arith.constant 0 : i32
        %dma_wait3A_48 = tpu.memref_slice %arg9[%dma_wait3A, %dma_wait3A_47] : memref<128x128xf32, #tpu.memory_space<vmem>> -> memref<80x128xf32, #tpu.memory_space<vmem>>
        %dma_wait3A_49 = arith.constant 0 : i32
        %dma_wait3A_50 = arith.constant 0 : i32
        %dma_wait3A_51 = tpu.memref_slice %arg9[%dma_wait3A_49, %dma_wait3A_50] : memref<128x128xf32, #tpu.memory_space<vmem>> -> memref<80x128xf32, #tpu.memory_space<vmem>>
        tpu.wait_dma2 semaphore(%run_scoped3A : memref<!tpu.dma_semaphore, #tpu.memory_space<semaphore_mem>>) src(%dma_wait3A_51 : memref<80x128xf32, #tpu.memory_space<vmem>>) dst(%arg8 : memref<80x128xf32, #tpu.memory_space<hbm>>)
        tpu.yield
      }) : () -> ()
    } else {
    }
    return
  }
}

module attributes {stable_mosaic.version = 14 : i64} {
  func.func @_prep_body(%arg0: i32, %arg1: memref<400x128xf32, #tpu.memory_space<vmem>>, %arg2: memref<400x8xf32, #tpu.memory_space<vmem>>, %arg3: memref<8x128xf32, #tpu.memory_space<vmem>>, %arg4: memref<128x128xf32, #tpu.memory_space<vmem>>, %arg5: memref<128x128xf32, #tpu.memory_space<vmem>>, %arg6: memref<128x128xf32, #tpu.memory_space<vmem>>, %arg7: memref<1x128xf32, #tpu.memory_space<vmem>>, %arg8: memref<128x128xf32, #tpu.memory_space<vmem>>, %arg9: memref<128x128xf32, #tpu.memory_space<vmem>>, %arg10: memref<1x128xf32, #tpu.memory_space<vmem>>, %arg11: memref<400x128xf32, #tpu.memory_space<vmem>>, %arg12: memref<400x128xf32, #tpu.memory_space<vmem>>, %arg13: memref<400x128xf32, #tpu.memory_space<vmem>>) attributes {dimension_semantics = [#tpu.dimension_semantics<arbitrary>], iteration_bounds = array<i64: 25>, scalar_prefetch = 0 : i64, scratch_operands = 0 : i64, tpu.core_type = #tpu.core_type<tc>, window_params = [{transform_indices = @transform_0, window_bounds = array<i64: 400, 128>}, {transform_indices = @transform_1, window_bounds = array<i64: 400, 8>}, {pipeline_mode = #tpu.pipeline_mode<synchronous>, transform_indices = @transform_2, window_bounds = array<i64: 8, 128>}, {pipeline_mode = #tpu.pipeline_mode<synchronous>, transform_indices = @transform_3, window_bounds = array<i64: 128, 128>}, {pipeline_mode = #tpu.pipeline_mode<synchronous>, transform_indices = @transform_4, window_bounds = array<i64: 128, 128>}, {pipeline_mode = #tpu.pipeline_mode<synchronous>, transform_indices = @transform_5, window_bounds = array<i64: 128, 128>}, {pipeline_mode = #tpu.pipeline_mode<synchronous>, transform_indices = @transform_6, window_bounds = array<i64: 1, 128>}, {pipeline_mode = #tpu.pipeline_mode<synchronous>, transform_indices = @transform_7, window_bounds = array<i64: 128, 128>}, {pipeline_mode = #tpu.pipeline_mode<synchronous>, transform_indices = @transform_8, window_bounds = array<i64: 128, 128>}, {pipeline_mode = #tpu.pipeline_mode<synchronous>, transform_indices = @transform_9, window_bounds = array<i64: 1, 128>}, {transform_indices = @transform_10, window_bounds = array<i64: 400, 128>}, {transform_indices = @transform_11, window_bounds = array<i64: 400, 128>}, {transform_indices = @transform_12, window_bounds = array<i64: 400, 128>}]} {
    %get3A = arith.constant 0 : index
    %get3A_0 = arith.constant 0 : index
    %get3A_1 = vector.load %arg1[%get3A, %get3A_0] : memref<400x128xf32, #tpu.memory_space<vmem>>, vector<400x128xf32>
    %get3A_2 = arith.constant 0 : index
    %get3A_3 = arith.constant 0 : index
    %get3A_4 = vector.load %arg2[%get3A_2, %get3A_3] : memref<400x8xf32, #tpu.memory_space<vmem>>, vector<400x8xf32>
    %get3A_5 = arith.constant 0 : index
    %get3A_6 = arith.constant 0 : index
    %get3A_7 = vector.load %arg3[%get3A_5, %get3A_6] : memref<8x128xf32, #tpu.memory_space<vmem>>, vector<8x128xf32>
    %get3A_8 = arith.constant 0 : index
    %get3A_9 = arith.constant 0 : index
    %get3A_10 = vector.load %arg6[%get3A_8, %get3A_9] : memref<128x128xf32, #tpu.memory_space<vmem>>, vector<128x128xf32>
    %dot_general3A = arith.constant dense<0.000000e+00> : vector<8x128xf32>
    %dot_general3A_11 = tpu.matmul %get3A_7, %get3A_10, %dot_general3A {dimension_numbers = #tpu.dot_dimension_numbers<[1], [0], [0], [1], [0, 0, 1, 1], [], []>, transpose_lhs_hint = false} : vector<8x128xf32>, vector<128x128xf32>, vector<8x128xf32> -> vector<8x128xf32>
    %get3A_12 = arith.constant 0 : index
    %get3A_13 = arith.constant 0 : index
    %get3A_14 = vector.load %arg7[%get3A_12, %get3A_13] : memref<1x128xf32, #tpu.memory_space<vmem>>, vector<1x128xf32>
    %add3A = vector.broadcast %get3A_14 : vector<1x128xf32> to vector<8x128xf32>
    %add3A_15 = arith.addf %dot_general3A_11, %add3A : vector<8x128xf32>
    %get3A_16 = arith.constant 0 : index
    %get3A_17 = arith.constant 0 : index
    %get3A_18 = vector.load %arg9[%get3A_16, %get3A_17] : memref<128x128xf32, #tpu.memory_space<vmem>>, vector<128x128xf32>
    %dot_general3A_19 = arith.constant dense<0.000000e+00> : vector<8x128xf32>
    %dot_general3A_20 = tpu.matmul %get3A_7, %get3A_18, %dot_general3A_19 {dimension_numbers = #tpu.dot_dimension_numbers<[1], [0], [0], [1], [0, 0, 1, 1], [], []>, transpose_lhs_hint = false} : vector<8x128xf32>, vector<128x128xf32>, vector<8x128xf32> -> vector<8x128xf32>
    %get3A_21 = arith.constant 0 : index
    %get3A_22 = arith.constant 0 : index
    %get3A_23 = vector.load %arg10[%get3A_21, %get3A_22] : memref<1x128xf32, #tpu.memory_space<vmem>>, vector<1x128xf32>
    %add3A_24 = vector.broadcast %get3A_23 : vector<1x128xf32> to vector<8x128xf32>
    %add3A_25 = arith.addf %dot_general3A_20, %add3A_24 : vector<8x128xf32>
    %get3A_26 = arith.constant 0 : index
    %get3A_27 = arith.constant 0 : index
    %get3A_28 = vector.load %arg4[%get3A_26, %get3A_27] : memref<128x128xf32, #tpu.memory_space<vmem>>, vector<128x128xf32>
    %dot_general3A_29 = arith.constant dense<0.000000e+00> : vector<400x128xf32>
    %dot_general3A_30 = tpu.matmul %get3A_1, %get3A_28, %dot_general3A_29 {dimension_numbers = #tpu.dot_dimension_numbers<[1], [0], [0], [1], [0, 0, 1, 1], [], []>, transpose_lhs_hint = false} : vector<400x128xf32>, vector<128x128xf32>, vector<400x128xf32> -> vector<400x128xf32>
    %swap3A = arith.constant 0 : index
    %swap3A_31 = arith.constant 0 : index
    %swap3A_32 = vector.load %arg11[%swap3A, %swap3A_31] : memref<400x128xf32, #tpu.memory_space<vmem>>, vector<400x128xf32>
    tpu.vector_store %arg11[%swap3A, %swap3A_31], %dot_general3A_30 {strides = array<i32>} : memref<400x128xf32, #tpu.memory_space<vmem>>, vector<400x128xf32>,
    %get3A_33 = arith.constant 0 : index
    %get3A_34 = arith.constant 0 : index
    %get3A_35 = vector.load %arg5[%get3A_33, %get3A_34] : memref<128x128xf32, #tpu.memory_space<vmem>>, vector<128x128xf32>
    %dot_general3A_36 = arith.constant dense<0.000000e+00> : vector<400x128xf32>
    %dot_general3A_37 = tpu.matmul %get3A_1, %get3A_35, %dot_general3A_36 {dimension_numbers = #tpu.dot_dimension_numbers<[1], [0], [0], [1], [0, 0, 1, 1], [], []>, transpose_lhs_hint = false} : vector<400x128xf32>, vector<128x128xf32>, vector<400x128xf32> -> vector<400x128xf32>
    %dot_general3A_38 = arith.constant dense<0.000000e+00> : vector<400x128xf32>
    %dot_general3A_39 = tpu.matmul %get3A_4, %add3A_15, %dot_general3A_38 {dimension_numbers = #tpu.dot_dimension_numbers<[1], [0], [0], [1], [0, 0, 1, 1], [], []>, transpose_lhs_hint = false} : vector<400x8xf32>, vector<8x128xf32>, vector<400x128xf32> -> vector<400x128xf32>
    %add3A_40 = arith.addf %dot_general3A_37, %dot_general3A_39 : vector<400x128xf32>
    %swap3A_41 = arith.constant 0 : index
    %swap3A_42 = arith.constant 0 : index
    %swap3A_43 = vector.load %arg12[%swap3A_41, %swap3A_42] : memref<400x128xf32, #tpu.memory_space<vmem>>, vector<400x128xf32>
    tpu.vector_store %arg12[%swap3A_41, %swap3A_42], %add3A_40 {strides = array<i32>} : memref<400x128xf32, #tpu.memory_space<vmem>>, vector<400x128xf32>,
    %get3A_44 = arith.constant 0 : index
    %get3A_45 = arith.constant 0 : index
    %get3A_46 = vector.load %arg8[%get3A_44, %get3A_45] : memref<128x128xf32, #tpu.memory_space<vmem>>, vector<128x128xf32>
    %dot_general3A_47 = arith.constant dense<0.000000e+00> : vector<400x128xf32>
    %dot_general3A_48 = tpu.matmul %get3A_1, %get3A_46, %dot_general3A_47 {dimension_numbers = #tpu.dot_dimension_numbers<[1], [0], [0], [1], [0, 0, 1, 1], [], []>, transpose_lhs_hint = false} : vector<400x128xf32>, vector<128x128xf32>, vector<400x128xf32> -> vector<400x128xf32>
    %dot_general3A_49 = arith.constant dense<0.000000e+00> : vector<400x128xf32>
    %dot_general3A_50 = tpu.matmul %get3A_4, %add3A_25, %dot_general3A_49 {dimension_numbers = #tpu.dot_dimension_numbers<[1], [0], [0], [1], [0, 0, 1, 1], [], []>, transpose_lhs_hint = false} : vector<400x8xf32>, vector<8x128xf32>, vector<400x128xf32> -> vector<400x128xf32>
    %add3A_51 = arith.addf %dot_general3A_48, %dot_general3A_50 : vector<400x128xf32>
    %swap3A_52 = arith.constant 0 : index
    %swap3A_53 = arith.constant 0 : index
    %swap3A_54 = vector.load %arg13[%swap3A_52, %swap3A_53] : memref<400x128xf32, #tpu.memory_space<vmem>>, vector<400x128xf32>
    tpu.vector_store %arg13[%swap3A_52, %swap3A_53], %add3A_51 {strides = array<i32>} : memref<400x128xf32, #tpu.memory_space<vmem>>, vector<400x128xf32>,
    return
  }
  func.func @transform_0(%arg0: i32) -> (i32, i32) {
    %c0_i32 = arith.constant 0 : i32
    %c0_i32_0 = arith.constant 0 : i32
    return %arg0, %c0_i32 : i32, i32
  }
  func.func @transform_1(%arg0: i32) -> (i32, i32) {
    %c0_i32 = arith.constant 0 : i32
    %c0_i32_0 = arith.constant 0 : i32
    return %arg0, %c0_i32 : i32, i32
  }
  func.func @transform_2(%arg0: i32) -> (i32, i32) {
    %c0_i32 = arith.constant 0 : i32
    %c0_i32_0 = arith.constant 0 : i32
    %c0_i32_1 = arith.constant 0 : i32
    return %c0_i32, %c0_i32_0 : i32, i32
  }
  func.func @transform_3(%arg0: i32) -> (i32, i32) {
    %c0_i32 = arith.constant 0 : i32
    %c0_i32_0 = arith.constant 0 : i32
    %c0_i32_1 = arith.constant 0 : i32
    return %c0_i32, %c0_i32_0 : i32, i32
  }
  func.func @transform_4(%arg0: i32) -> (i32, i32) {
    %c0_i32 = arith.constant 0 : i32
    %c0_i32_0 = arith.constant 0 : i32
    %c0_i32_1 = arith.constant 0 : i32
    return %c0_i32, %c0_i32_0 : i32, i32
  }
  func.func @transform_5(%arg0: i32) -> (i32, i32) {
    %c0_i32 = arith.constant 0 : i32
    %c0_i32_0 = arith.constant 0 : i32
    %c0_i32_1 = arith.constant 0 : i32
    return %c0_i32, %c0_i32_0 : i32, i32
  }
  func.func @transform_6(%arg0: i32) -> (i32, i32) {
    %c0_i32 = arith.constant 0 : i32
    %c0_i32_0 = arith.constant 0 : i32
    %c0_i32_1 = arith.constant 0 : i32
    return %c0_i32, %c0_i32_0 : i32, i32
  }
  func.func @transform_7(%arg0: i32) -> (i32, i32) {
    %c0_i32 = arith.constant 0 : i32
    %c0_i32_0 = arith.constant 0 : i32
    %c0_i32_1 = arith.constant 0 : i32
    return %c0_i32, %c0_i32_0 : i32, i32
  }
  func.func @transform_8(%arg0: i32) -> (i32, i32) {
    %c0_i32 = arith.constant 0 : i32
    %c0_i32_0 = arith.constant 0 : i32
    %c0_i32_1 = arith.constant 0 : i32
    return %c0_i32, %c0_i32_0 : i32, i32
  }
  func.func @transform_9(%arg0: i32) -> (i32, i32) {
    %c0_i32 = arith.constant 0 : i32
    %c0_i32_0 = arith.constant 0 : i32
    %c0_i32_1 = arith.constant 0 : i32
    return %c0_i32, %c0_i32_0 : i32, i32
  }
  func.func @transform_10(%arg0: i32) -> (i32, i32) {
    %c0_i32 = arith.constant 0 : i32
    %c0_i32_0 = arith.constant 0 : i32
    return %arg0, %c0_i32 : i32, i32
  }
  func.func @transform_11(%arg0: i32) -> (i32, i32) {
    %c0_i32 = arith.constant 0 : i32
    %c0_i32_0 = arith.constant 0 : i32
    return %arg0, %c0_i32 : i32, i32
  }
  func.func @transform_12(%arg0: i32) -> (i32, i32) {
    %c0_i32 = arith.constant 0 : i32
    %c0_i32_0 = arith.constant 0 : i32
    return %arg0, %c0_i32 : i32, i32
  }
}

module attributes {stable_mosaic.version = 14 : i64} {
  func.func @_edge_body(%arg0: i32, %arg1: memref<512x128xf32, #tpu.memory_space<vmem>>, %arg2: memref<512x128xf32, #tpu.memory_space<vmem>>, %arg3: memref<512x16xf32, #tpu.memory_space<vmem>>, %arg4: memref<16x128xf32, #tpu.memory_space<vmem>>, %arg5: memref<128x128xf32, #tpu.memory_space<vmem>>, %arg6: memref<1x128xf32, #tpu.memory_space<vmem>>, %arg7: memref<1x128xf32, #tpu.memory_space<vmem>>, %arg8: memref<1x128xf32, #tpu.memory_space<vmem>>, %arg9: memref<512x128xf32, #tpu.memory_space<vmem>>) attributes {dimension_semantics = [#tpu.dimension_semantics<arbitrary>], iteration_bounds = array<i64: 625>, scalar_prefetch = 0 : i64, scratch_operands = 0 : i64, tpu.core_type = #tpu.core_type<tc>, window_params = [{transform_indices = @transform_0, window_bounds = array<i64: 512, 128>}, {transform_indices = @transform_1, window_bounds = array<i64: 512, 128>}, {transform_indices = @transform_2, window_bounds = array<i64: 512, 16>}, {pipeline_mode = #tpu.pipeline_mode<synchronous>, transform_indices = @transform_3, window_bounds = array<i64: 16, 128>}, {pipeline_mode = #tpu.pipeline_mode<synchronous>, transform_indices = @transform_4, window_bounds = array<i64: 128, 128>}, {pipeline_mode = #tpu.pipeline_mode<synchronous>, transform_indices = @transform_5, window_bounds = array<i64: 1, 128>}, {pipeline_mode = #tpu.pipeline_mode<synchronous>, transform_indices = @transform_6, window_bounds = array<i64: 1, 128>}, {pipeline_mode = #tpu.pipeline_mode<synchronous>, transform_indices = @transform_7, window_bounds = array<i64: 1, 128>}, {transform_indices = @transform_8, window_bounds = array<i64: 512, 128>}]} {
    %get3A = arith.constant 0 : index
    %get3A_0 = arith.constant 0 : index
    %get3A_1 = vector.load %arg1[%get3A, %get3A_0] : memref<512x128xf32, #tpu.memory_space<vmem>>, vector<512x128xf32>
    %get3A_2 = arith.constant 0 : index
    %get3A_3 = arith.constant 0 : index
    %get3A_4 = vector.load %arg2[%get3A_2, %get3A_3] : memref<512x128xf32, #tpu.memory_space<vmem>>, vector<512x128xf32>
    %add3A = arith.addf %get3A_1, %get3A_4 : vector<512x128xf32>
    %get3A_5 = arith.constant 0 : index
    %get3A_6 = arith.constant 0 : index
    %get3A_7 = vector.load %arg3[%get3A_5, %get3A_6] : memref<512x16xf32, #tpu.memory_space<vmem>>, vector<512x16xf32>
    %get3A_8 = arith.constant 0 : index
    %get3A_9 = arith.constant 0 : index
    %get3A_10 = vector.load %arg4[%get3A_8, %get3A_9] : memref<16x128xf32, #tpu.memory_space<vmem>>, vector<16x128xf32>
    %dot_general3A = arith.constant dense<0.000000e+00> : vector<512x128xf32>
    %dot_general3A_11 = tpu.matmul %get3A_7, %get3A_10, %dot_general3A {dimension_numbers = #tpu.dot_dimension_numbers<[1], [0], [0], [1], [0, 0, 1, 1], [], []>, transpose_lhs_hint = false} : vector<512x16xf32>, vector<16x128xf32>, vector<512x128xf32> -> vector<512x128xf32>
    %add3A_12 = arith.addf %add3A, %dot_general3A_11 : vector<512x128xf32>
    %max3A = arith.constant 0.000000e+00 : f32
    %max3A_13 = vector.broadcast %max3A : f32 to vector<512x128xf32>
    %max3A_14 = arith.maximumf %add3A_12, %max3A_13 : vector<512x128xf32>
    %get3A_15 = arith.constant 0 : index
    %get3A_16 = arith.constant 0 : index
    %get3A_17 = vector.load %arg5[%get3A_15, %get3A_16] : memref<128x128xf32, #tpu.memory_space<vmem>>, vector<128x128xf32>
    %dot_general3A_18 = arith.constant dense<0.000000e+00> : vector<512x128xf32>
    %dot_general3A_19 = tpu.matmul %max3A_14, %get3A_17, %dot_general3A_18 {dimension_numbers = #tpu.dot_dimension_numbers<[1], [0], [0], [1], [0, 0, 1, 1], [], []>, transpose_lhs_hint = false} : vector<512x128xf32>, vector<128x128xf32>, vector<512x128xf32> -> vector<512x128xf32>
    %get3A_20 = arith.constant 0 : index
    %get3A_21 = arith.constant 0 : index
    %get3A_22 = vector.load %arg6[%get3A_20, %get3A_21] : memref<1x128xf32, #tpu.memory_space<vmem>>, vector<1x128xf32>
    %add3A_23 = vector.broadcast %get3A_22 : vector<1x128xf32> to vector<512x128xf32>
    %add3A_24 = arith.addf %dot_general3A_19, %add3A_23 : vector<512x128xf32>
    %max3A_25 = arith.constant 0.000000e+00 : f32
    %max3A_26 = vector.broadcast %max3A_25 : f32 to vector<512x128xf32>
    %max3A_27 = arith.maximumf %add3A_24, %max3A_26 : vector<512x128xf32>
    %get3A_28 = arith.constant 0 : index
    %get3A_29 = arith.constant 0 : index
    %get3A_30 = vector.load %arg7[%get3A_28, %get3A_29] : memref<1x128xf32, #tpu.memory_space<vmem>>, vector<1x128xf32>
    %get3A_31 = arith.constant 0 : index
    %get3A_32 = arith.constant 0 : index
    %get3A_33 = vector.load %arg8[%get3A_31, %get3A_32] : memref<1x128xf32, #tpu.memory_space<vmem>>, vector<1x128xf32>
    %reduce_sum3A = arith.constant dense<0.000000e+00> : vector<512xf32>
    %reduce_sum3A_34 = vector.multi_reduction <add>, %max3A_27, %reduce_sum3A [1] : vector<512x128xf32> to vector<512xf32>
    %broadcast_in_dim3A = vector.shape_cast %reduce_sum3A_34 : vector<512xf32> to vector<512x1xf32>
    %div3A = arith.constant 1.280000e+02 : f32
    %div3A_35 = vector.broadcast %div3A : f32 to vector<512x1xf32>
    %div3A_36 = arith.divf %broadcast_in_dim3A, %div3A_35 : vector<512x1xf32>
    %sub3A = vector.broadcast %div3A_36 : vector<512x1xf32> to vector<512x128xf32>
    %sub3A_37 = arith.subf %max3A_27, %sub3A : vector<512x128xf32>
    %integer_pow3A = arith.mulf %sub3A_37, %sub3A_37 : vector<512x128xf32>
    %reduce_sum3A_38 = arith.constant dense<0.000000e+00> : vector<512xf32>
    %reduce_sum3A_39 = vector.multi_reduction <add>, %integer_pow3A, %reduce_sum3A_38 [1] : vector<512x128xf32> to vector<512xf32>
    %broadcast_in_dim3A_40 = vector.shape_cast %reduce_sum3A_39 : vector<512xf32> to vector<512x1xf32>
    %div3A_41 = arith.constant 1.280000e+02 : f32
    %div3A_42 = vector.broadcast %div3A_41 : f32 to vector<512x1xf32>
    %div3A_43 = arith.divf %broadcast_in_dim3A_40, %div3A_42 : vector<512x1xf32>
    %sub3A_44 = vector.broadcast %div3A_36 : vector<512x1xf32> to vector<512x128xf32>
    %sub3A_45 = arith.subf %max3A_27, %sub3A_44 : vector<512x128xf32>
    %add3A_46 = arith.constant 9.99999974E-6 : f32
    %add3A_47 = vector.broadcast %add3A_46 : f32 to vector<512x1xf32>
    %add3A_48 = arith.addf %div3A_43, %add3A_47 : vector<512x1xf32>
    %rsqrt3A = math.rsqrt %add3A_48 : vector<512x1xf32>
    %mul3A = vector.broadcast %rsqrt3A : vector<512x1xf32> to vector<512x128xf32>
    %mul3A_49 = arith.mulf %sub3A_45, %mul3A : vector<512x128xf32>
    %mul3A_50 = vector.broadcast %get3A_30 : vector<1x128xf32> to vector<512x128xf32>
    %mul3A_51 = arith.mulf %mul3A_49, %mul3A_50 : vector<512x128xf32>
    %add3A_52 = vector.broadcast %get3A_33 : vector<1x128xf32> to vector<512x128xf32>
    %add3A_53 = arith.addf %mul3A_51, %add3A_52 : vector<512x128xf32>
    %swap3A = arith.constant 0 : index
    %swap3A_54 = arith.constant 0 : index
    %swap3A_55 = vector.load %arg9[%swap3A, %swap3A_54] : memref<512x128xf32, #tpu.memory_space<vmem>>, vector<512x128xf32>
    tpu.vector_store %arg9[%swap3A, %swap3A_54], %add3A_53 {strides = array<i32>} : memref<512x128xf32, #tpu.memory_space<vmem>>, vector<512x128xf32>,
    return
  }
  func.func @transform_0(%arg0: i32) -> (i32, i32) {
    %c0_i32 = arith.constant 0 : i32
    %c0_i32_0 = arith.constant 0 : i32
    return %arg0, %c0_i32 : i32, i32
  }
  func.func @transform_1(%arg0: i32) -> (i32, i32) {
    %c0_i32 = arith.constant 0 : i32
    %c0_i32_0 = arith.constant 0 : i32
    return %arg0, %c0_i32 : i32, i32
  }
  func.func @transform_2(%arg0: i32) -> (i32, i32) {
    %c0_i32 = arith.constant 0 : i32
    %c0_i32_0 = arith.constant 0 : i32
    return %arg0, %c0_i32 : i32, i32
  }
  func.func @transform_3(%arg0: i32) -> (i32, i32) {
    %c0_i32 = arith.constant 0 : i32
    %c0_i32_0 = arith.constant 0 : i32
    %c0_i32_1 = arith.constant 0 : i32
    return %c0_i32, %c0_i32_0 : i32, i32
  }
  func.func @transform_4(%arg0: i32) -> (i32, i32) {
    %c0_i32 = arith.constant 0 : i32
    %c0_i32_0 = arith.constant 0 : i32
    %c0_i32_1 = arith.constant 0 : i32
    return %c0_i32, %c0_i32_0 : i32, i32
  }
  func.func @transform_5(%arg0: i32) -> (i32, i32) {
    %c0_i32 = arith.constant 0 : i32
    %c0_i32_0 = arith.constant 0 : i32
    %c0_i32_1 = arith.constant 0 : i32
    return %c0_i32, %c0_i32_0 : i32, i32
  }
  func.func @transform_6(%arg0: i32) -> (i32, i32) {
    %c0_i32 = arith.constant 0 : i32
    %c0_i32_0 = arith.constant 0 : i32
    %c0_i32_1 = arith.constant 0 : i32
    return %c0_i32, %c0_i32_0 : i32, i32
  }
  func.func @transform_7(%arg0: i32) -> (i32, i32) {
    %c0_i32 = arith.constant 0 : i32
    %c0_i32_0 = arith.constant 0 : i32
    %c0_i32_1 = arith.constant 0 : i32
    return %c0_i32, %c0_i32_0 : i32, i32
  }
  func.func @transform_8(%arg0: i32) -> (i32, i32) {
    %c0_i32 = arith.constant 0 : i32
    %c0_i32_0 = arith.constant 0 : i32
    return %arg0, %c0_i32 : i32, i32
  }
}

module attributes {stable_mosaic.version = 14 : i64} {
  func.func @_node_body(%arg0: i32, %arg1: memref<400x128xf32, #tpu.memory_space<vmem>>, %arg2: memref<400x128xf32, #tpu.memory_space<vmem>>, %arg3: memref<400x128xf32, #tpu.memory_space<vmem>>, %arg4: memref<400x16xf32, #tpu.memory_space<vmem>>, %arg5: memref<400x8xf32, #tpu.memory_space<vmem>>, %arg6: memref<128x128xf32, #tpu.memory_space<vmem>>, %arg7: memref<128x128xf32, #tpu.memory_space<vmem>>, %arg8: memref<128x128xf32, #tpu.memory_space<vmem>>, %arg9: memref<1x128xf32, #tpu.memory_space<vmem>>, %arg10: memref<1x128xf32, #tpu.memory_space<vmem>>, %arg11: memref<1x128xf32, #tpu.memory_space<vmem>>, %arg12: memref<400x128xf32, #tpu.memory_space<vmem>>, %arg13: memref<8x288xf32, #tpu.memory_space<vmem>>) attributes {dimension_semantics = [#tpu.dimension_semantics<arbitrary>], iteration_bounds = array<i64: 25>, scalar_prefetch = 0 : i64, scratch_operands = 0 : i64, tpu.core_type = #tpu.core_type<tc>, window_params = [{transform_indices = @transform_0, window_bounds = array<i64: 400, 128>}, {transform_indices = @transform_1, window_bounds = array<i64: 400, 128>}, {transform_indices = @transform_2, window_bounds = array<i64: 400, 128>}, {transform_indices = @transform_3, window_bounds = array<i64: 400, 16>}, {transform_indices = @transform_4, window_bounds = array<i64: 400, 8>}, {pipeline_mode = #tpu.pipeline_mode<synchronous>, transform_indices = @transform_5, window_bounds = array<i64: 128, 128>}, {pipeline_mode = #tpu.pipeline_mode<synchronous>, transform_indices = @transform_6, window_bounds = array<i64: 128, 128>}, {pipeline_mode = #tpu.pipeline_mode<synchronous>, transform_indices = @transform_7, window_bounds = array<i64: 128, 128>}, {pipeline_mode = #tpu.pipeline_mode<synchronous>, transform_indices = @transform_8, window_bounds = array<i64: 1, 128>}, {pipeline_mode = #tpu.pipeline_mode<synchronous>, transform_indices = @transform_9, window_bounds = array<i64: 1, 128>}, {pipeline_mode = #tpu.pipeline_mode<synchronous>, transform_indices = @transform_10, window_bounds = array<i64: 1, 128>}, {transform_indices = @transform_11, window_bounds = array<i64: 400, 128>}, {pipeline_mode = #tpu.pipeline_mode<synchronous>, transform_indices = @transform_12, window_bounds = array<i64: 8, 288>}]} {
    %get3A = arith.constant 0 : index
    %get3A_0 = arith.constant 0 : index
    %get3A_1 = vector.load %arg1[%get3A, %get3A_0] : memref<400x128xf32, #tpu.memory_space<vmem>>, vector<400x128xf32>
    %get3A_2 = arith.constant 0 : index
    %get3A_3 = arith.constant 0 : index
    %get3A_4 = vector.load %arg2[%get3A_2, %get3A_3] : memref<400x128xf32, #tpu.memory_space<vmem>>, vector<400x128xf32>
    %get3A_5 = arith.constant 0 : index
    %get3A_6 = arith.constant 0 : index
    %get3A_7 = vector.load %arg6[%get3A_5, %get3A_6] : memref<128x128xf32, #tpu.memory_space<vmem>>, vector<128x128xf32>
    %dot_general3A = arith.constant dense<0.000000e+00> : vector<400x128xf32>
    %dot_general3A_8 = tpu.matmul %get3A_4, %get3A_7, %dot_general3A {dimension_numbers = #tpu.dot_dimension_numbers<[1], [0], [0], [1], [0, 0, 1, 1], [], []>, transpose_lhs_hint = false} : vector<400x128xf32>, vector<128x128xf32>, vector<400x128xf32> -> vector<400x128xf32>
    %add3A = arith.addf %get3A_1, %dot_general3A_8 : vector<400x128xf32>
    %get3A_9 = arith.constant 0 : index
    %get3A_10 = arith.constant 0 : index
    %get3A_11 = vector.load %arg3[%get3A_9, %get3A_10] : memref<400x128xf32, #tpu.memory_space<vmem>>, vector<400x128xf32>
    %get3A_12 = arith.constant 0 : index
    %get3A_13 = arith.constant 0 : index
    %get3A_14 = vector.load %arg7[%get3A_12, %get3A_13] : memref<128x128xf32, #tpu.memory_space<vmem>>, vector<128x128xf32>
    %dot_general3A_15 = arith.constant dense<0.000000e+00> : vector<400x128xf32>
    %dot_general3A_16 = tpu.matmul %get3A_11, %get3A_14, %dot_general3A_15 {dimension_numbers = #tpu.dot_dimension_numbers<[1], [0], [0], [1], [0, 0, 1, 1], [], []>, transpose_lhs_hint = false} : vector<400x128xf32>, vector<128x128xf32>, vector<400x128xf32> -> vector<400x128xf32>
    %add3A_17 = arith.addf %add3A, %dot_general3A_16 : vector<400x128xf32>
    %max3A = arith.constant 0.000000e+00 : f32
    %max3A_18 = vector.broadcast %max3A : f32 to vector<400x128xf32>
    %max3A_19 = arith.maximumf %add3A_17, %max3A_18 : vector<400x128xf32>
    %get3A_20 = arith.constant 0 : index
    %get3A_21 = arith.constant 0 : index
    %get3A_22 = vector.load %arg8[%get3A_20, %get3A_21] : memref<128x128xf32, #tpu.memory_space<vmem>>, vector<128x128xf32>
    %dot_general3A_23 = arith.constant dense<0.000000e+00> : vector<400x128xf32>
    %dot_general3A_24 = tpu.matmul %max3A_19, %get3A_22, %dot_general3A_23 {dimension_numbers = #tpu.dot_dimension_numbers<[1], [0], [0], [1], [0, 0, 1, 1], [], []>, transpose_lhs_hint = false} : vector<400x128xf32>, vector<128x128xf32>, vector<400x128xf32> -> vector<400x128xf32>
    %get3A_25 = arith.constant 0 : index
    %get3A_26 = arith.constant 0 : index
    %get3A_27 = vector.load %arg9[%get3A_25, %get3A_26] : memref<1x128xf32, #tpu.memory_space<vmem>>, vector<1x128xf32>
    %add3A_28 = vector.broadcast %get3A_27 : vector<1x128xf32> to vector<400x128xf32>
    %add3A_29 = arith.addf %dot_general3A_24, %add3A_28 : vector<400x128xf32>
    %max3A_30 = arith.constant 0.000000e+00 : f32
    %max3A_31 = vector.broadcast %max3A_30 : f32 to vector<400x128xf32>
    %max3A_32 = arith.maximumf %add3A_29, %max3A_31 : vector<400x128xf32>
    %get3A_33 = arith.constant 0 : index
    %get3A_34 = arith.constant 0 : index
    %get3A_35 = vector.load %arg10[%get3A_33, %get3A_34] : memref<1x128xf32, #tpu.memory_space<vmem>>, vector<1x128xf32>
    %get3A_36 = arith.constant 0 : index
    %get3A_37 = arith.constant 0 : index
    %get3A_38 = vector.load %arg11[%get3A_36, %get3A_37] : memref<1x128xf32, #tpu.memory_space<vmem>>, vector<1x128xf32>
    %reduce_sum3A = arith.constant dense<0.000000e+00> : vector<400xf32>
    %reduce_sum3A_39 = vector.multi_reduction <add>, %max3A_32, %reduce_sum3A [1] : vector<400x128xf32> to vector<400xf32>
    %broadcast_in_dim3A = vector.shape_cast %reduce_sum3A_39 : vector<400xf32> to vector<400x1xf32>
    %div3A = arith.constant 1.280000e+02 : f32
    %div3A_40 = vector.broadcast %div3A : f32 to vector<400x1xf32>
    %div3A_41 = arith.divf %broadcast_in_dim3A, %div3A_40 : vector<400x1xf32>
    %sub3A = vector.broadcast %div3A_41 : vector<400x1xf32> to vector<400x128xf32>
    %sub3A_42 = arith.subf %max3A_32, %sub3A : vector<400x128xf32>
    %integer_pow3A = arith.mulf %sub3A_42, %sub3A_42 : vector<400x128xf32>
    %reduce_sum3A_43 = arith.constant dense<0.000000e+00> : vector<400xf32>
    %reduce_sum3A_44 = vector.multi_reduction <add>, %integer_pow3A, %reduce_sum3A_43 [1] : vector<400x128xf32> to vector<400xf32>
    %broadcast_in_dim3A_45 = vector.shape_cast %reduce_sum3A_44 : vector<400xf32> to vector<400x1xf32>
    %div3A_46 = arith.constant 1.280000e+02 : f32
    %div3A_47 = vector.broadcast %div3A_46 : f32 to vector<400x1xf32>
    %div3A_48 = arith.divf %broadcast_in_dim3A_45, %div3A_47 : vector<400x1xf32>
    %sub3A_49 = vector.broadcast %div3A_41 : vector<400x1xf32> to vector<400x128xf32>
    %sub3A_50 = arith.subf %max3A_32, %sub3A_49 : vector<400x128xf32>
    %add3A_51 = arith.constant 9.99999974E-6 : f32
    %add3A_52 = vector.broadcast %add3A_51 : f32 to vector<400x1xf32>
    %add3A_53 = arith.addf %div3A_48, %add3A_52 : vector<400x1xf32>
    %rsqrt3A = math.rsqrt %add3A_53 : vector<400x1xf32>
    %mul3A = vector.broadcast %rsqrt3A : vector<400x1xf32> to vector<400x128xf32>
    %mul3A_54 = arith.mulf %sub3A_50, %mul3A : vector<400x128xf32>
    %mul3A_55 = vector.broadcast %get3A_35 : vector<1x128xf32> to vector<400x128xf32>
    %mul3A_56 = arith.mulf %mul3A_54, %mul3A_55 : vector<400x128xf32>
    %add3A_57 = vector.broadcast %get3A_38 : vector<1x128xf32> to vector<400x128xf32>
    %add3A_58 = arith.addf %mul3A_56, %add3A_57 : vector<400x128xf32>
    %swap3A = arith.constant 0 : index
    %swap3A_59 = arith.constant 0 : index
    %swap3A_60 = vector.load %arg12[%swap3A, %swap3A_59] : memref<400x128xf32, #tpu.memory_space<vmem>>, vector<400x128xf32>
    tpu.vector_store %arg12[%swap3A, %swap3A_59], %add3A_58 {strides = array<i32>} : memref<400x128xf32, #tpu.memory_space<vmem>>, vector<400x128xf32>,
    %get3A_61 = arith.constant 0 : index
    %get3A_62 = arith.constant 0 : index
    %get3A_63 = vector.load %arg3[%get3A_61, %get3A_62] : memref<400x128xf32, #tpu.memory_space<vmem>>, vector<400x128xf32>
    %get3A_64 = arith.constant 0 : index
    %get3A_65 = arith.constant 0 : index
    %get3A_66 = vector.load %arg4[%get3A_64, %get3A_65] : memref<400x16xf32, #tpu.memory_space<vmem>>, vector<400x16xf32>
    %broadcast_in_dim3A_67 = arith.constant 1.000000e+00 : f32
    %broadcast_in_dim3A_68 = vector.broadcast %broadcast_in_dim3A_67 : f32 to vector<400x16xf32>
    %concatenate3A = tpu.concatenate %add3A_58, %get3A_63, %get3A_66, %broadcast_in_dim3A_68 in 1 : vector<400x128xf32>, vector<400x128xf32>, vector<400x16xf32>, vector<400x16xf32> -> vector<400x288xf32>
    %get3A_69 = arith.constant 0 : index
    %get3A_70 = arith.constant 0 : index
    %get3A_71 = vector.load %arg5[%get3A_69, %get3A_70] : memref<400x8xf32, #tpu.memory_space<vmem>>, vector<400x8xf32>
    %transpose3A = tpu.transpose %get3A_71, [1, 0] : vector<400x8xf32> -> vector<8x400xf32>
    %dot_general3A_72 = arith.constant dense<0.000000e+00> : vector<8x288xf32>
    %dot_general3A_73 = tpu.matmul %transpose3A, %concatenate3A, %dot_general3A_72 {dimension_numbers = #tpu.dot_dimension_numbers<[1], [0], [0], [1], [0, 0, 1, 1], [], []>, transpose_lhs_hint = false} : vector<8x400xf32>, vector<400x288xf32>, vector<8x288xf32> -> vector<8x288xf32>
    %eq3A = arith.constant 0 : i32
    %eq3A_74 = arith.cmpi eq, %arg0, %eq3A : i32
    %convert_element_type3A = arith.extui %eq3A_74 : i1 to i32
    %cond3A = arith.constant 0 : i32
    %cond3A_75 = arith.cmpi ne, %convert_element_type3A, %cond3A : i32
    scf.if %cond3A_75 {
      %broadcast_in_dim3A_83 = arith.constant 0.000000e+00 : f32
      %broadcast_in_dim3A_84 = vector.broadcast %broadcast_in_dim3A_83 : f32 to vector<8x288xf32>
      %swap3A_85 = arith.constant 0 : index
      %swap3A_86 = arith.constant 0 : index
      %swap3A_87 = vector.load %arg13[%swap3A_85, %swap3A_86] : memref<8x288xf32, #tpu.memory_space<vmem>>, vector<8x288xf32>
      tpu.vector_store %arg13[%swap3A_85, %swap3A_86], %broadcast_in_dim3A_84 {strides = array<i32>} : memref<8x288xf32, #tpu.memory_space<vmem>>, vector<8x288xf32>,
    } else {
    }
    %get3A_76 = arith.constant 0 : index
    %get3A_77 = arith.constant 0 : index
    %get3A_78 = vector.load %arg13[%get3A_76, %get3A_77] : memref<8x288xf32, #tpu.memory_space<vmem>>, vector<8x288xf32>
    %add3A_79 = arith.addf %get3A_78, %dot_general3A_73 : vector<8x288xf32>
    %swap3A_80 = arith.constant 0 : index
    %swap3A_81 = arith.constant 0 : index
    %swap3A_82 = vector.load %arg13[%swap3A_80, %swap3A_81] : memref<8x288xf32, #tpu.memory_space<vmem>>, vector<8x288xf32>
    tpu.vector_store %arg13[%swap3A_80, %swap3A_81], %add3A_79 {strides = array<i32>} : memref<8x288xf32, #tpu.memory_space<vmem>>, vector<8x288xf32>,
    return
  }
  func.func @transform_0(%arg0: i32) -> (i32, i32) {
    %c0_i32 = arith.constant 0 : i32
    %c0_i32_0 = arith.constant 0 : i32
    return %arg0, %c0_i32 : i32, i32
  }
  func.func @transform_1(%arg0: i32) -> (i32, i32) {
    %c0_i32 = arith.constant 0 : i32
    %c0_i32_0 = arith.constant 0 : i32
    return %arg0, %c0_i32 : i32, i32
  }
  func.func @transform_2(%arg0: i32) -> (i32, i32) {
    %c0_i32 = arith.constant 0 : i32
    %c0_i32_0 = arith.constant 0 : i32
    return %arg0, %c0_i32 : i32, i32
  }
  func.func @transform_3(%arg0: i32) -> (i32, i32) {
    %c0_i32 = arith.constant 0 : i32
    %c0_i32_0 = arith.constant 0 : i32
    return %arg0, %c0_i32 : i32, i32
  }
  func.func @transform_4(%arg0: i32) -> (i32, i32) {
    %c0_i32 = arith.constant 0 : i32
    %c0_i32_0 = arith.constant 0 : i32
    return %arg0, %c0_i32 : i32, i32
  }
  func.func @transform_5(%arg0: i32) -> (i32, i32) {
    %c0_i32 = arith.constant 0 : i32
    %c0_i32_0 = arith.constant 0 : i32
    %c0_i32_1 = arith.constant 0 : i32
    return %c0_i32, %c0_i32_0 : i32, i32
  }
  func.func @transform_6(%arg0: i32) -> (i32, i32) {
    %c0_i32 = arith.constant 0 : i32
    %c0_i32_0 = arith.constant 0 : i32
    %c0_i32_1 = arith.constant 0 : i32
    return %c0_i32, %c0_i32_0 : i32, i32
  }
  func.func @transform_7(%arg0: i32) -> (i32, i32) {
    %c0_i32 = arith.constant 0 : i32
    %c0_i32_0 = arith.constant 0 : i32
    %c0_i32_1 = arith.constant 0 : i32
    return %c0_i32, %c0_i32_0 : i32, i32
  }
  func.func @transform_8(%arg0: i32) -> (i32, i32) {
    %c0_i32 = arith.constant 0 : i32
    %c0_i32_0 = arith.constant 0 : i32
    %c0_i32_1 = arith.constant 0 : i32
    return %c0_i32, %c0_i32_0 : i32, i32
  }
  func.func @transform_9(%arg0: i32) -> (i32, i32) {
    %c0_i32 = arith.constant 0 : i32
    %c0_i32_0 = arith.constant 0 : i32
    %c0_i32_1 = arith.constant 0 : i32
    return %c0_i32, %c0_i32_0 : i32, i32
  }
  func.func @transform_10(%arg0: i32) -> (i32, i32) {
    %c0_i32 = arith.constant 0 : i32
    %c0_i32_0 = arith.constant 0 : i32
    %c0_i32_1 = arith.constant 0 : i32
    return %c0_i32, %c0_i32_0 : i32, i32
  }
  func.func @transform_11(%arg0: i32) -> (i32, i32) {
    %c0_i32 = arith.constant 0 : i32
    %c0_i32_0 = arith.constant 0 : i32
    return %arg0, %c0_i32 : i32, i32
  }
  func.func @transform_12(%arg0: i32) -> (i32, i32) {
    %c0_i32 = arith.constant 0 : i32
    %c0_i32_0 = arith.constant 0 : i32
    %c0_i32_1 = arith.constant 0 : i32
    return %c0_i32, %c0_i32_0 : i32, i32
  }
}

module attributes {stable_mosaic.version = 14 : i64} {
  func.func @_glob_body(%arg0: memref<8x288xf32, #tpu.memory_space<vmem>>, %arg1: memref<8x128xf32, #tpu.memory_space<vmem>>, %arg2: memref<128x128xf32, #tpu.memory_space<vmem>>, %arg3: memref<128x128xf32, #tpu.memory_space<vmem>>, %arg4: memref<128x128xf32, #tpu.memory_space<vmem>>, %arg5: memref<1x128xf32, #tpu.memory_space<vmem>>, %arg6: memref<128x128xf32, #tpu.memory_space<vmem>>, %arg7: memref<1x128xf32, #tpu.memory_space<vmem>>, %arg8: memref<1x128xf32, #tpu.memory_space<vmem>>, %arg9: memref<1x128xf32, #tpu.memory_space<vmem>>, %arg10: memref<8x128xf32, #tpu.memory_space<vmem>>) attributes {dimension_semantics = [], scalar_prefetch = 0 : i64, scratch_operands = 0 : i64, tpu.core_type = #tpu.core_type<tc>} {
    %get3A = arith.constant 0 : index
    %get3A_0 = arith.constant 0 : index
    %get3A_1 = vector.load %arg0[%get3A, %get3A_0] : memref<8x288xf32, #tpu.memory_space<vmem>>, vector<8x288xf32>
    %slice3A = vector.extract_strided_slice %get3A_1 {offsets = [0, 0], sizes = [8, 128], strides = [1, 1]} : vector<8x288xf32> to vector<8x128xf32>
    %slice3A_2 = vector.extract_strided_slice %get3A_1 {offsets = [0, 128], sizes = [8, 128], strides = [1, 1]} : vector<8x288xf32> to vector<8x128xf32>
    %slice3A_3 = vector.extract_strided_slice %get3A_1 {offsets = [0, 256], sizes = [8, 1], strides = [1, 1]} : vector<8x288xf32> to vector<8x1xf32>
    %slice3A_4 = vector.extract_strided_slice %get3A_1 {offsets = [0, 272], sizes = [8, 1], strides = [1, 1]} : vector<8x288xf32> to vector<8x1xf32>
    %max3A = arith.constant 1.000000e+00 : f32
    %max3A_5 = vector.broadcast %max3A : f32 to vector<8x1xf32>
    %max3A_6 = arith.maximumf %slice3A_4, %max3A_5 : vector<8x1xf32>
    %div3A = vector.broadcast %max3A_6 : vector<8x1xf32> to vector<8x128xf32>
    %div3A_7 = arith.divf %slice3A, %div3A : vector<8x128xf32>
    %max3A_8 = arith.constant 1.000000e+00 : f32
    %max3A_9 = vector.broadcast %max3A_8 : f32 to vector<8x1xf32>
    %max3A_10 = arith.maximumf %slice3A_3, %max3A_9 : vector<8x1xf32>
    %div3A_11 = vector.broadcast %max3A_10 : vector<8x1xf32> to vector<8x128xf32>
    %div3A_12 = arith.divf %slice3A_2, %div3A_11 : vector<8x128xf32>
    %get3A_13 = arith.constant 0 : index
    %get3A_14 = arith.constant 0 : index
    %get3A_15 = vector.load %arg2[%get3A_13, %get3A_14] : memref<128x128xf32, #tpu.memory_space<vmem>>, vector<128x128xf32>
    %dot_general3A = arith.constant dense<0.000000e+00> : vector<8x128xf32>
    %dot_general3A_16 = tpu.matmul %div3A_7, %get3A_15, %dot_general3A {dimension_numbers = #tpu.dot_dimension_numbers<[1], [0], [0], [1], [0, 0, 1, 1], [], []>, transpose_lhs_hint = false} : vector<8x128xf32>, vector<128x128xf32>, vector<8x128xf32> -> vector<8x128xf32>
    %get3A_17 = arith.constant 0 : index
    %get3A_18 = arith.constant 0 : index
    %get3A_19 = vector.load %arg3[%get3A_17, %get3A_18] : memref<128x128xf32, #tpu.memory_space<vmem>>, vector<128x128xf32>
    %dot_general3A_20 = arith.constant dense<0.000000e+00> : vector<8x128xf32>
    %dot_general3A_21 = tpu.matmul %div3A_12, %get3A_19, %dot_general3A_20 {dimension_numbers = #tpu.dot_dimension_numbers<[1], [0], [0], [1], [0, 0, 1, 1], [], []>, transpose_lhs_hint = false} : vector<8x128xf32>, vector<128x128xf32>, vector<8x128xf32> -> vector<8x128xf32>
    %add3A = arith.addf %dot_general3A_16, %dot_general3A_21 : vector<8x128xf32>
    %get3A_22 = arith.constant 0 : index
    %get3A_23 = arith.constant 0 : index
    %get3A_24 = vector.load %arg1[%get3A_22, %get3A_23] : memref<8x128xf32, #tpu.memory_space<vmem>>, vector<8x128xf32>
    %get3A_25 = arith.constant 0 : index
    %get3A_26 = arith.constant 0 : index
    %get3A_27 = vector.load %arg4[%get3A_25, %get3A_26] : memref<128x128xf32, #tpu.memory_space<vmem>>, vector<128x128xf32>
    %dot_general3A_28 = arith.constant dense<0.000000e+00> : vector<8x128xf32>
    %dot_general3A_29 = tpu.matmul %get3A_24, %get3A_27, %dot_general3A_28 {dimension_numbers = #tpu.dot_dimension_numbers<[1], [0], [0], [1], [0, 0, 1, 1], [], []>, transpose_lhs_hint = false} : vector<8x128xf32>, vector<128x128xf32>, vector<8x128xf32> -> vector<8x128xf32>
    %add3A_30 = arith.addf %add3A, %dot_general3A_29 : vector<8x128xf32>
    %get3A_31 = arith.constant 0 : index
    %get3A_32 = arith.constant 0 : index
    %get3A_33 = vector.load %arg5[%get3A_31, %get3A_32] : memref<1x128xf32, #tpu.memory_space<vmem>>, vector<1x128xf32>
    %add3A_34 = vector.broadcast %get3A_33 : vector<1x128xf32> to vector<8x128xf32>
    %add3A_35 = arith.addf %add3A_30, %add3A_34 : vector<8x128xf32>
    %max3A_36 = arith.constant 0.000000e+00 : f32
    %max3A_37 = vector.broadcast %max3A_36 : f32 to vector<8x128xf32>
    %max3A_38 = arith.maximumf %add3A_35, %max3A_37 : vector<8x128xf32>
    %get3A_39 = arith.constant 0 : index
    %get3A_40 = arith.constant 0 : index
    %get3A_41 = vector.load %arg6[%get3A_39, %get3A_40] : memref<128x128xf32, #tpu.memory_space<vmem>>, vector<128x128xf32>
    %dot_general3A_42 = arith.constant dense<0.000000e+00> : vector<8x128xf32>
    %dot_general3A_43 = tpu.matmul %max3A_38, %get3A_41, %dot_general3A_42 {dimension_numbers = #tpu.dot_dimension_numbers<[1], [0], [0], [1], [0, 0, 1, 1], [], []>, transpose_lhs_hint = false} : vector<8x128xf32>, vector<128x128xf32>, vector<8x128xf32> -> vector<8x128xf32>
    %get3A_44 = arith.constant 0 : index
    %get3A_45 = arith.constant 0 : index
    %get3A_46 = vector.load %arg7[%get3A_44, %get3A_45] : memref<1x128xf32, #tpu.memory_space<vmem>>, vector<1x128xf32>
    %add3A_47 = vector.broadcast %get3A_46 : vector<1x128xf32> to vector<8x128xf32>
    %add3A_48 = arith.addf %dot_general3A_43, %add3A_47 : vector<8x128xf32>
    %max3A_49 = arith.constant 0.000000e+00 : f32
    %max3A_50 = vector.broadcast %max3A_49 : f32 to vector<8x128xf32>
    %max3A_51 = arith.maximumf %add3A_48, %max3A_50 : vector<8x128xf32>
    %get3A_52 = arith.constant 0 : index
    %get3A_53 = arith.constant 0 : index
    %get3A_54 = vector.load %arg8[%get3A_52, %get3A_53] : memref<1x128xf32, #tpu.memory_space<vmem>>, vector<1x128xf32>
    %get3A_55 = arith.constant 0 : index
    %get3A_56 = arith.constant 0 : index
    %get3A_57 = vector.load %arg9[%get3A_55, %get3A_56] : memref<1x128xf32, #tpu.memory_space<vmem>>, vector<1x128xf32>
    %reduce_sum3A = arith.constant dense<0.000000e+00> : vector<8xf32>
    %reduce_sum3A_58 = vector.multi_reduction <add>, %max3A_51, %reduce_sum3A [1] : vector<8x128xf32> to vector<8xf32>
    %broadcast_in_dim3A = vector.shape_cast %reduce_sum3A_58 : vector<8xf32> to vector<8x1xf32>
    %div3A_59 = arith.constant 1.280000e+02 : f32
    %div3A_60 = vector.broadcast %div3A_59 : f32 to vector<8x1xf32>
    %div3A_61 = arith.divf %broadcast_in_dim3A, %div3A_60 : vector<8x1xf32>
    %sub3A = vector.broadcast %div3A_61 : vector<8x1xf32> to vector<8x128xf32>
    %sub3A_62 = arith.subf %max3A_51, %sub3A : vector<8x128xf32>
    %integer_pow3A = arith.mulf %sub3A_62, %sub3A_62 : vector<8x128xf32>
    %reduce_sum3A_63 = arith.constant dense<0.000000e+00> : vector<8xf32>
    %reduce_sum3A_64 = vector.multi_reduction <add>, %integer_pow3A, %reduce_sum3A_63 [1] : vector<8x128xf32> to vector<8xf32>
    %broadcast_in_dim3A_65 = vector.shape_cast %reduce_sum3A_64 : vector<8xf32> to vector<8x1xf32>
    %div3A_66 = arith.constant 1.280000e+02 : f32
    %div3A_67 = vector.broadcast %div3A_66 : f32 to vector<8x1xf32>
    %div3A_68 = arith.divf %broadcast_in_dim3A_65, %div3A_67 : vector<8x1xf32>
    %sub3A_69 = vector.broadcast %div3A_61 : vector<8x1xf32> to vector<8x128xf32>
    %sub3A_70 = arith.subf %max3A_51, %sub3A_69 : vector<8x128xf32>
    %add3A_71 = arith.constant 9.99999974E-6 : f32
    %add3A_72 = vector.broadcast %add3A_71 : f32 to vector<8x1xf32>
    %add3A_73 = arith.addf %div3A_68, %add3A_72 : vector<8x1xf32>
    %rsqrt3A = math.rsqrt %add3A_73 : vector<8x1xf32>
    %mul3A = vector.broadcast %rsqrt3A : vector<8x1xf32> to vector<8x128xf32>
    %mul3A_74 = arith.mulf %sub3A_70, %mul3A : vector<8x128xf32>
    %mul3A_75 = vector.broadcast %get3A_54 : vector<1x128xf32> to vector<8x128xf32>
    %mul3A_76 = arith.mulf %mul3A_74, %mul3A_75 : vector<8x128xf32>
    %add3A_77 = vector.broadcast %get3A_57 : vector<1x128xf32> to vector<8x128xf32>
    %add3A_78 = arith.addf %mul3A_76, %add3A_77 : vector<8x128xf32>
    %swap3A = arith.constant 0 : index
    %swap3A_79 = arith.constant 0 : index
    %swap3A_80 = vector.load %arg10[%swap3A, %swap3A_79] : memref<8x128xf32, #tpu.memory_space<vmem>>, vector<8x128xf32>
    tpu.vector_store %arg10[%swap3A, %swap3A_79], %add3A_78 {strides = array<i32>} : memref<8x128xf32, #tpu.memory_space<vmem>>, vector<8x128xf32>,
    return
  }
}

</mosaic_0001>

<sc_bundles>
// kernel: kernel.11.cloned.1.call-start
scs
__scs_entry_jumppad:
0x0: {  	(pc) =	sbr.rel $0x88, $3  }
0x1: {  	(tag) =	ssettag $0x0;
	lr =	simm.s32 $0x1  }
0x2: {  	[smem:$0x3F8A] =	sst lr;
	_ =	strace $0xD0000000  }
0x3: {  	_ = 	snop  }
0x4: {  	_ = 	snop  }
0x5: {  	_ = 	snop  }
0x6: {  	_ = 	snop  }
0x7: {  	_ = 	snop  }
__scs_overlays_trampoline_lowered:
0x8: {  	[smem:$0x3F99] =	sst s0  }
0x9: {  	[smem:$0x3F9A] =	sst s1  }
0xa: {  	[smem:$0x3F9B] =	sst s2  }
0xb: {  	[smem:$0x3F9C] =	sst s3  }
0xc: {  	[smem:$0x3F9D] =	sst s4  }
0xd: {  	[smem:$0x3F9E] =	sst s5  }
0xe: {  	[smem:$0x3F9F] =	sst s6  }
0xf: {  	[smem:$0x3FA0] =	sst s7  }
0x10: {  	[smem:$0x3FA1] =	sst s8  }
0x11: {  	[smem:$0x3FA2] =	sst s9;
	s0 =	simm.s32 @!p0 $0x0  }
0x12: {  	s1 =	sld [smem:$0x3F88];
	s0 =	simm.s32 @p0 $0x1  }
0x13: {  	[smem:$0x3FA3] =	sst s0;
	s0 =	simm.s32 @!p1 $0x0  }
0x14: {  	s2 =	sld [smem:$0x3F87];
	s0 =	simm.s32 @p1 $0x1  }
0x15: {  	[smem:$0x3FA4] =	sst s0;
	s0 =	simm.s32 @!p2 $0x0  }
0x16: {  	s3 =	sld [smem:$0x3FDB];
	s0 =	simm.s32 @p2 $0x1  }
0x17: {  	s4 =	simm.s32 $0x1BF5;
	[smem:$0x3FA6] =	sst s0  }
0x18: {  	s0 =	sld [smem:$0x3F89];
	_ =	swait.ge [sflag:s4], $0x0  }
0x19: {  	s7 =	sld [smem:$0x3F8A]  }
0x1a: {  	s8 =	sadd.s32 $0xFFFFE003, lr  }
0x1b: {  	s9 =	sadd.s32 $0xFFFFFEF7, lr;
	s5 =	simm.s32 $0xFFFFFFFF;
	p2 =	slt.u32 s8, $0xFFFFF086  }
0x1c: {  	p1 =	slt.u32 s9, $0xF7A;
	s5 =	simm.s32 @!p2 $0x0  }
0x1d: {  	s5 =	simm.s32 @p1 $0x1;
	p0 =	seq.s32 s7, s2  }
0x1e: {  	s7 =	smul.u32 @!p0 $0xF7A, s2;
	p2 =	seq.s32 @!p0 s5, $0x0  }
0x1f: {  	s9 =	smul.u32 $0xF7A, s1;
	s8 =	simm.s32 @!p0 $0x1BF5;
	p2 =	por !p2, p0  }
0x20: {  	[sflag:s8] =	ssyncset.s32 @!p0 $0xFFFFF086;
	s6 =	sadd.s32 @!p0 s3, s7;
	s7 =	simm.s32 @!p0 $0x108  }
0x21: {  	s3 =	sadd.s32 s3, s9;
	s6 =	sadd.s32 @!p0 $0x88, s6;
	s7 =	simm.s32 @p2 $0x1082  }
0x22: {  	[simem:s7], [sflag:s8] =	dma.local @!p0 [hbm:s6], $0xF7A  }
0x23: {  	s9 =	sor.u32 $0xD0000000, s2;
	s6 =	simm.s32 $0x108;
	_ =	swait.ge @!p0 [sflag:s8], $0x0  }
0x24: {  	s3 =	sadd.s32 $0x88, s3;
	s6 =	simm.s32 @!p1 $0x1082;
	[sflag:s4] =	ssyncset.s32 $0xFFFFF086  }
0x25: {  	[simem:s6], [sflag:s4] =	dma.local [hbm:s3], $0xF7A  }
0x26: {  	[smem:$0x3F8A] =	sst s1;
	(tag) =	ssettag s2;
	_ =	strace s9  }
0x27: {  	s1 =	sld [smem:$0x3F9A]  }
0x28: {  	s2 =	sld [smem:$0x3F9B]  }
0x29: {  	s4 =	sld [smem:$0x3F9D]  }
0x2a: {  	p0 =	seq.s32 s5, $0x0;
	s5 =	sld [smem:$0x3F9E]  }
0x2b: {  	s6 =	sld [smem:$0x3F9F]  }
0x2c: {  	s7 =	sld [smem:$0x3FA0]  }
0x2d: {  	s3 =	simm.s32 $0x108;
	s8 =	sld [smem:$0x3FA1]  }
0x2e: {  	s3 =	simm.s32 @!p0 $0x1082;
	s9 =	sld [smem:$0x3FA2]  }
0x2f: {  	lr =	sadd.s32 s0, s3;
	s0 =	sld [smem:$0x3F99]  }
0x30: {  	s3 =	sld [smem:$0x3F9C]  }
0x31: {  	[smem:$0x3FA5] =	sst s10  }
0x32: {  	s10 =	sld [smem:$0x3FA3];
	_ =	sdelay $0x3  }
0x33: {  	p0 =	seq.s32 s10, $0x1;
	s10 =	sld [smem:$0x3FA5];
	_ =	sdelay $0x3  }
0x34: {  	[smem:$0x3FA5] =	sst s10  }
0x35: {  	s10 =	sld [smem:$0x3FA4];
	_ =	sdelay $0x3  }
0x36: {  	p1 =	seq.s32 s10, $0x1;
	s10 =	sld [smem:$0x3FA5];
	_ =	sdelay $0x3  }
0x37: {  	[smem:$0x3FA5] =	sst s10  }
0x38: {  	s10 =	sld [smem:$0x3FA6]  }
0x39: {  	_ = 	snop;
	(pc) =	sbr.ind lr, $3  }
0x3a: {  	_ = 	snop  }
0x3b: {  	_ = 	snop  }
0x3c: {  	p2 =	seq.s32 s10, $0x1;
	s10 =	sld [smem:$0x3FA5]  }
0x3d: {  	_ =	shalt  }
0x3e: {  	_ =	shalt  }
0x3f: {  	_ =	shalt  }
0x40: {  	_ =	shalt  }
0x41: {  	_ =	shalt  }
0x42: {  	_ =	shalt  }
0x43: {  	_ =	shalt  }
0x44: {  	_ =	shalt  }
0x45: {  	_ =	shalt  }
0x46: {  	_ =	shalt  }
0x47: {  	_ =	shalt  }
0x48: {  	_ =	shalt  }
0x49: {  	_ =	shalt  }
0x4a: {  	_ =	shalt  }
0x4b: {  	_ =	shalt  }
0x4c: {  	_ =	shalt  }
0x4d: {  	_ =	shalt  }
0x4e: {  	_ =	shalt  }
0x4f: {  	_ =	shalt  }
0x50: {  	_ =	shalt  }
0x51: {  	_ =	shalt  }
0x52: {  	_ =	shalt  }
0x53: {  	_ =	shalt  }
0x54: {  	_ =	shalt  }
0x55: {  	_ =	shalt  }
0x56: {  	_ =	shalt  }
0x57: {  	_ =	shalt  }
0x58: {  	_ =	shalt  }
0x59: {  	_ =	shalt  }
0x5a: {  	_ =	shalt  }
0x5b: {  	_ =	shalt  }
0x5c: {  	_ =	shalt  }
0x5d: {  	_ =	shalt  }
0x5e: {  	_ =	shalt  }
0x5f: {  	_ =	shalt  }
0x60: {  	_ =	shalt  }
0x61: {  	_ =	shalt  }
0x62: {  	_ =	shalt  }
0x63: {  	_ =	shalt  }
0x64: {  	_ =	shalt  }
0x65: {  	_ =	shalt  }
0x66: {  	_ =	shalt  }
0x67: {  	_ =	shalt  }
0x68: {  	_ =	shalt  }
0x69: {  	_ =	shalt  }
0x6a: {  	_ =	shalt  }
0x6b: {  	_ =	shalt  }
0x6c: {  	_ =	shalt  }
0x6d: {  	_ =	shalt  }
0x6e: {  	_ =	shalt  }
0x6f: {  	_ =	shalt  }
0x70: {  	_ =	shalt  }
0x71: {  	_ =	shalt  }
0x72: {  	_ =	shalt  }
0x73: {  	_ =	shalt  }
0x74: {  	_ =	shalt  }
0x75: {  	_ =	shalt  }
0x76: {  	_ =	shalt  }
0x77: {  	_ =	shalt  }
0x78: {  	_ =	shalt  }
0x79: {  	_ =	shalt  }
0x7a: {  	_ =	shalt  }
0x7b: {  	_ =	shalt  }
0x7c: {  	_ =	shalt  }
0x7d: {  	_ =	shalt  }
0x7e: {  	_ =	shalt  }
0x7f: {  	_ =	shalt  }
0x80: {  	_ =	shalt  }
0x81: {  	_ =	shalt  }
0x82: {  	_ =	shalt  }
0x83: {  	_ =	shalt  }
0x84: {  	_ =	shalt  }
0x85: {  	_ =	shalt  }
0x86: {  	_ =	shalt  }
0x87: {  	_ =	shalt  }
.Lfunc_end0:
.L_simem_size_0:
called_computation.1_lowered:
.L_overlay_start_0:
0x88: {  	s2 =	sld [smem:$0x3FD9]  }
0x89: {  	s3 =	sld [smem:$0x3FFE];
	_ =	sdelay $0x1  }
0x8a: {  	s1 =	srdreg.scid  }
0x8b: {  	s0 =	sand.u32 $0x1, s1  }
0x8c: {  	s14 =	sshll.u32 s0, $0xA;
	s2 =	sadd.s32 s3, s2  }
0x8d: {  	s2 =	sadd.s32 s2, s14  }
0x8e: {  	[smem:$0x3FB1] =	sst s2  }
0x8f: {  	_ = 	snop  }
0x90: {  	s2 =	sld [smem:$0x3FD0];
	_ =	sdelay $0x2  }
0x91: {  	s15 =	simm.s32 $0xA;
	s4 =	simm.s32 $0x10  }
0x92: {  	[smem:s4], [sflag:s15] =	dma.local [hbm:s2], $0x1  }
0x93: {  	_ =	swait.eq [sflag:s15], $0x1  }
0x94: {  	s16 =	sld [smem:$0x10];
	[sflag:s15] =	ssyncset.done $0x0  }
0x95: {  	s17 =	sld [smem:$0x11];
	[sflag:s15] =	ssyncadd.s32 $0xFFFFFFFF  }
0x96: {  	s18 =	sld [smem:$0x12];
	(tm) =	ssettm $0x1  }
0x97: {  	s5 =	sld [smem:$0x3FFB];
	_ =	sdelay $0x3  }
0x98: {  	_ =	strace s5  }
0x99: {  	s5 =	sld [smem:$0x3FFC];
	_ =	sdelay $0x3  }
0x9a: {  	_ =	strace s5  }
0x9b: {  	s5 =	sld [smem:$0x3FFD];
	_ =	sdelay $0x3  }
0x9c: {  	_ =	strace s5  }
0x9d: {  	_ =	strace $0x8FFFFFFF  }
0x9e: {  	s19 =	sld [smem:$0x3FDB];
	_ =	sdelay $0x1  }
0x9f: {  	s6 =	simm.s32 $_scs_section_size  }
0xa0: {  	s7 =	simm.s32 $_size__tile_overlayer_lowered;
	s8 =	simm.s32 $_tile_overlayer_lowered  }
0xa1: {  	s22 =	simm.s32 $0x1BFF;
	s21 =	sshll.u32 s8, $0x1;
	s5 =	sadd.s32 s6, s19  }
0xa2: {  	s9 =	simm.s32 $0x0;
	s20 =	sshll.u32 s7, $0x1;
	s7 =	sadd.s32 s21, s5  }
0xa3: {  	[timem:s9], [sflag:s22] =	dma.local [hbm:s7], s20  }
0xa4: {  	_ =	swait.ge [sflag:s22], s20  }
0xa5: {  	s6 =	ssub.s32 $0x0, s20;
	[sflag:s22] =	ssyncset.done $0x0  }
0xa6: {  	[sflag:s22] =	ssyncadd.s32 s6;
	_ =	sdelay $0x1  }
0xa7: {  	s23 =	simm.s32 $0x1B8B  }
0xa8: {  	_ =	swait.ge [sflag:s23], $0x1  }
0xa9: {  	[sflag:s23] =	ssyncset.done $0x0  }
0xaa: {  	s25 =	simm.s32 $0x1B8E;
	s24 =	sld [smem:$0x3FFE];
	[sflag:s23] =	ssyncadd.s32 $0xFFFFFFFF  }
0xab: {  	s26 =	simm.s32 $execute0_lowered;
	[smem:$0x3FD2] =	sst s25  }
0xac: {  	s7 =	sshll.u32 s26, $0x1;
	_ =	strace $0x80000049;
	[dreg:$0x1] =	wrdreg $0xFFFFFFFF  }
0xad: {  	s28 =	simm.s32 $_size_execute0_lowered;
	s5 =	sadd.s32 s5, s7;
	[dreg:$0x0] =	wrdreg $0x0  }
0xae: {  	s7 =	sshll.u32 s28, $0x1;
	[dreg:$0x2] =	wrdreg s5  }
0xaf: {  	[dreg:$0x3] =	wrdreg s7  }
0xb0: {  	[dreg:$0x4] =	wrdreg $0xC0  }
0xb1: {  	_ =	task [dreg:s9], $0x5FFFF  }
0xb2: {  	[dreg:$0x1] =	wrdreg $0xFFFFFFFF  }
0xb3: {  	[dreg:$0x0] =	wrdreg $0x60  }
0xb4: {  	[dreg:$0x2] =	wrdreg s16  }
0xb5: {  	[dreg:$0x3] =	wrdreg s24  }
0xb6: {  	[dreg:$0x4] =	wrdreg s17  }
0xb7: {  	[dreg:$0x5] =	wrdreg s18  }
0xb8: {  	[dreg:$0x6] =	wrdreg $0x69800  }
0xb9: {  	[dreg:$0x7] =	wrdreg $0x1A9800  }
0xba: {  	[dreg:$0x8] =	wrdreg $0x9  }
0xbb: {  	_ =	task.clear_ibuf [dreg:s9], $0x9FFFF;
	_ =	strace $0x90000049  }
0xbc: {  	s29 =	simm.s32 $0x9;
	_ =	strace $0x8000004B  }
0xbd: {  	_ =	swait.ge [sflag:s29], $0x1  }
0xbe: {  	[sflag:s29] =	ssyncadd.s32 $0xFFFFFFFF  }
0xbf: {  	_ =	strace $0x9000004B  }
0xc0: {  	_ =	sfence  }
0xc1: {  	s30 =	sld [smem:$0x0];
	_ =	sdelay $0x2  }
0xc2: {  	s31 =	sshll.u32 s1, $0xD;
	s1 =	sshrl.u32 s1, $0x2  }
0xc3: {  	s3 =	sand.u32 $0x4000, s31;
	s1 =	sadd.s32 s1, s30  }
0xc4: {  	s0 =	sor.u32 s3, s0;
	s1 =	sshll.u32 s1, $0x11  }
0xc5: {  	s0 =	sor.u32 s1, s0  }
0xc6: {  	s0 =	sadd.s32 $0x8F2B, s0  }
0xc7: {  	[sflag:s0] =	ssyncadd.remote.s32 $0x1  }
0xc8: {  	_ =	sfence.sel $0xFFFF  }
0xc9: {  	[dreg:$0x0] =	wrdreg $0xFFFFFFFF;
	(pc) =	sbr.abs _section_cstart, $3  }
0xca: {  	[dreg:$0x1] =	wrdreg $0xFFFFFFFF  }
0xcb: {  	_ =	task.clear_ibuf [dreg:s9], $0x2FFFF;
	_ =	strace $0x9FFFFFFF  }
0xcc: {  	(tm) =	ssettm $0x7FFFFFFF  }
0xcd: {  	_ =	shalt  }
tec
execute0_lowered:
.L_overlay_start_1:
0x0: {  	(tag) =	ssettag $0x1  }
0x1: {  	s0 =	rddreg [dreg:$0x0]  }
0x2: {  	s2 =	rddreg [dreg:$0x1]  }
0x3: {  	s1 =	rddreg [dreg:$0x2]  }
0x4: {  	s3 =	rddreg [dreg:$0x4]  }
0x5: {  	s4 =	rddreg [dreg:$0x5];
	s5 =	simm.s32 $0x0;
	s6 =	srdreg.scid  }
0x6: {  	s26 =	stileid.u32;
	s28 =	simm.s32 $0x1;
	s29 =	simm.s32 $0x4000  }
0x7: {  	s30 =	simm.s32 $0x80;
	s31 =	simm.s32 $0x4080;
	s7 =	smul.u32 $0x50000, s26  }
0x8: {  	[smem:$0x7FF] =	sst s5;
	s9 =	sadd.s32 $0x2E000, s2;
	s15 =	smul.u32 $0x4E20, s26  }
0x9: {  	s6 =	sand.u32 $0x1, s6;
	s14 =	sadd.s32 $0x69C00, s2;
	s18 =	smul.u32 $0x280, s26  }
0xa: {  	s16 =	sadd.s32 $0x91C00, s2;
	s2 =	sadd.s32 $0xB9C00, s2;
	s20 =	smul.u32 $0x4E200, s26  }
0xb: {  	_ =	strace $0x8000004A;
	s8 =	ssub.s32 $0x2, s6;
	s17 =	smul.u32 $0x4E200, s6  }
0xc: {  	[dreg:$0x7] =	wrdreg s2;
	s19 =	sor.u32 s26, s6;
	p0 =	sne.s32 s6, $0x0  }
0xd: {  	p2 =	seq.s32 s6, $0x0;
	s6 =	simm.s32 $0x2;
	s10 =	sshrl.u32 s8, $0x1  }
0xe: {  	s22 =	sadd.s32 $0x4E00, s15;
	s7 =	sshrl.u32 s7, $0x2;
	s25 =	sadd.s32 $0x80, s18  }
0xf: {  	s14 =	smov.u32 @p0 s16;
	p1 =	sne.s32 s19, $0x0;
	p3 =	sne.s32 @!p0 s26, $0x0  }
0x10: {  	s21 =	ssub.s32 s8, s10;
	s11 =	sadd.s32 s17, s22;
	s8 =	sadd.s32 s7, s3  }
0x11: {  	s10 =	sshll.u32 s22, $0x4;
	s15 =	sadd.s32 s15, s17;
	s22 =	sshll.u32 s25, $0x7  }
0x12: {  	p3 =	por p3, p0;
	s23 =	sshrl.u32 s11, $0x3;
	s24 =	sadd.s32 s0, s10  }
0x13: {  	s2 =	smax.u32 s21, $0x1;
	s12 =	sadd.s32 $0x4000, s8;
	s13 =	sadd.s32 $0x8000, s8  }
0x14: {  	s10 =	sshll.u32 s25, $0x4;
	s11 =	sadd.s32 $0x100, s18;
	s15 =	sshrl.u32 s15, $0x3  }
0x15: {  	s25 =	sadd.s32 $0x200, s18;
	s22 =	sadd.s32 s22, s3;
	[dreg:$0x9] =	wrdreg s24  }
0x16: {  	s7 =	sadd.s32 s9, s23;
	[dreg:$0xa] =	wrdreg s2;
	s2 =	smul.u32 $0x2800, s26  }
0x17: {  	s15 =	sadd.s32 s15, s9;
	s24 =	sadd.s32 $0x180, s18;
	s23 =	sshll.u32 s25, $0x4  }
0x18: {  	s17 =	sadd.s32 s14, s10;
	s25 =	sshll.u32 s25, $0x7;
	s26 =	sadd.s32 $0x10000, s8  }
0x19: {  	[dreg:$0x8] =	wrdreg s7;
	s7 =	sadd.s32 s20, s0;
	s20 =	sshll.u32 s11, $0x4  }
0x1a: {  	s21 =	sshll.u32 s24, $0x4;
	s0 =	sshll.u32 s11, $0x7;
	s24 =	sshll.u32 s24, $0x7  }
0x1b: {  	s25 =	sadd.s32 s25, s3;
	s16 =	sadd.s32 s14, s2;
	s18 =	sadd.s32 s14, s20  }
0x1c: {  	s19 =	sadd.s32 s14, s21;
	s20 =	sadd.s32 s14, s23;
	s21 =	sadd.s32 $0xC000, s8  }
0x1d: {  	s23 =	sadd.s32 s0, s3;
	s24 =	sadd.s32 s24, s3;
	s2 =	simm.s32 $0x0  }
.LBB2_1:
0x1e: {  	[tilespmem:s5], [sflag:$0x1] =	stream.linear.gather [hbm4b:s1+s5], $0x4000, $0x38;
	[tilespmem:$0x1AC00] =	vst v63  }
0x1f: {  	_ =	swait.ge [sflag:s28], $0x4000  }
0x20: {  	[sflag:s28] =	ssyncset.done $0x0  }
0x21: {  	[sflag:s28] =	ssyncadd.s32 $0xFFFFC000  }
0x22: {  	[spmem:s8] =	stream.linear.scatter [tilespmem:s5], [sflag:$0x1], $0x4000, $0x38;
	[tilespmem:$0x1AC00] =	vst v63  }
0x23: {  	_ =	swait.ge [sflag:s28], $0x4000  }
0x24: {  	[sflag:s28] =	ssyncset.done $0x0  }
0x25: {  	[sflag:s28] =	ssyncadd.s32 $0xFFFFC000  }
0x26: {  	[spmem:s12] =	stream.linear.scatter [tilespmem:s5], [sflag:$0x1], $0x4000, $0x38;
	[tilespmem:$0x1AC00] =	vst v63  }
0x27: {  	_ =	swait.ge [sflag:s28], $0x4000  }
0x28: {  	[sflag:s28] =	ssyncset.done $0x0  }
0x29: {  	[sflag:s28] =	ssyncadd.s32 $0xFFFFC000  }
0x2a: {  	[spmem:s13] =	stream.linear.scatter [tilespmem:s5], [sflag:$0x1], $0x4000, $0x38;
	[tilespmem:$0x1AC00] =	vst v63  }
0x2b: {  	_ =	swait.ge [sflag:s28], $0x4000  }
0x2c: {  	[sflag:s28] =	ssyncset.done $0x0  }
0x2d: {  	[sflag:s28] =	ssyncadd.s32 $0xFFFFC000  }
0x2e: {  	[spmem:s21] =	stream.linear.scatter [tilespmem:s5], [sflag:$0x1], $0x4000, $0x38;
	[tilespmem:$0x1AC00] =	vst v63  }
0x2f: {  	_ =	swait.ge [sflag:s28], $0x4000  }
0x30: {  	[sflag:s28] =	ssyncset.done $0x0  }
0x31: {  	[sflag:s28] =	ssyncadd.s32 $0xFFFFC000  }
0x32: {  	[spmem:s26] =	stream.linear.scatter [tilespmem:s5], [sflag:$0x1], $0x4000, $0x38;
	[tilespmem:$0x1AC00] =	vst v63  }
0x33: {  	_ =	swait.ge [sflag:s28], $0x4000  }
0x34: {  	s9 =	simm.s32 @!p0 $0x0;
	[sflag:s28] =	ssyncset.done $0x0  }
0x35: {  	s0 =	simm.s32 @!p0 $0x4100;
	s14 =	simm.s32 @!p0 $0x1;
	[sflag:s28] =	ssyncadd.s32 $0xFFFFC000  }
0x36: {  	[tilespmem:s0], [sflag:$0x1] =	stream.linear.gather @!p0 [hbm4b:s1+s9], $0x2800, $0x38;
	[tilespmem:$0x1AC00] =	vst v63  }
0x37: {  	_ =	swait.ge @!p0 [sflag:s14], $0x2800  }
0x38: {  	[sflag:s14] =	ssyncset.done @!p0 $0x0  }
0x39: {  	[sflag:s14] =	ssyncadd.s32 @!p0 $0xFFFFD800  }
0x3a: {  	s10 =	simm.s32 @!p0 $0x6900;
	s11 =	rddreg [dreg:$0x3]  }
0x3b: {  	[tilespmem:s10], [sflag:$0x1] =	stream.linear.gather @!p0 [hbm4b:s11+s9], $0x80, $0x38;
	[tilespmem:$0x1AC00] =	vst v63  }
0x3c: {  	_ =	swait.ge @!p0 [sflag:s14], $0x80  }
0x3d: {  	[sflag:s14] =	ssyncset.done @!p0 $0x0  }
0x3e: {  	s9 =	sshrl.u32 @!p3 s4, $0x3;
	s10 =	simm.s32 @!p3 $0x1C01;
	[sflag:s14] =	ssyncadd.s32 @!p0 $0xFFFFFF80  }
0x3f: {  	[spmem:s9], [sflag:s10] =	dma.local @!p3 [hbm:s1], $0x500  }
0x40: {  	s9 =	simm.s32 @!p3 $0x1  }
0x41: {  	_ =	swait.ge @!p3 [sflag:s9], $0x500  }
0x42: {  	[sflag:s9] =	ssyncset.done @!p3 $0x0  }
0x43: {  	[sflag:s9] =	ssyncadd.s32 @!p3 $0xFFFFFB00  }
0x44: {  	s14 =	smov.u32 s7;
	s9 =	simm.s32 $0x0;
	[bflag:$0x0] =	sbarrier.arrive $0xFFFF  }
.LBB2_2:
0x45: {  	s10 =	sadd.s32 s9, s15  }
0x46: {  	[tilespmem:s29], [sflag:$0x1] =	stream.linear.gather [hbm4b:s10+s5], $0x80, $0x38;
	[tilespmem:$0x1AC00] =	vst v63  }
0x47: {  	_ =	swait.ge [sflag:s28], $0x80  }
0x48: {  	[sflag:s28] =	ssyncset.done $0x0  }
0x49: {  	[sflag:s28] =	ssyncadd.s32 $0xFFFFFF80  }
0x4a: {  	[tilespmem:s5], [sflag:$0x1] =	stream.linear.gather [hbm4b:s14+s5], $0x4000, $0x38;
	[tilespmem:$0x1AC00] =	vst v63  }
0x4b: {  	_ =	swait.ge [sflag:s28], $0x4000  }
0x4c: {  	[sflag:s28] =	ssyncset.done $0x0  }
0x4d: {  	[sflag:s28] =	ssyncadd.s32 $0xFFFFC000  }
0x4e: {  	[spmem:s3] =	stream.indirect.scatter.add.f32 [tilespmem:s5], [sflag:$0x1], $0x80, s29, s30, $0xb8;
	[tilespmem:$0x1AC00] =	vst v63  }
0x4f: {  	_ =	swait.ge [sflag:s28], $0x4000  }
0x50: {  	[sflag:s28] =	ssyncset.done $0x0  }
0x51: {  	[sflag:s28] =	ssyncadd.s32 $0xFFFFC000  }
0x52: {  	v1 =	vld @!p0 [tilespmem:$0x4000];
	_ =	sdelay $0x6  }
0x53: {  	v0 =	vimm.f32 @!p0 $1.000000000e+00  }
0x54: {  	[tilespmem:v1+s0+$0x0] =	vst.idx.add.f32.msk @!p0 $0xffff, v0  }
0x55: {  	v1 =	vld @!p0 [tilespmem:$0x4010];
	_ =	sdelay $0x7  }
0x56: {  	[tilespmem:v1+s0+$0x0] =	vst.idx.add.f32.msk @!p0 $0xffff, v0  }
0x57: {  	v1 =	vld @!p0 [tilespmem:$0x4020];
	_ =	sdelay $0x7  }
0x58: {  	[tilespmem:v1+s0+$0x0] =	vst.idx.add.f32.msk @!p0 $0xffff, v0  }
0x59: {  	v1 =	vld @!p0 [tilespmem:$0x4030];
	_ =	sdelay $0x7  }
0x5a: {  	[tilespmem:v1+s0+$0x0] =	vst.idx.add.f32.msk @!p0 $0xffff, v0  }
0x5b: {  	v1 =	vld @!p0 [tilespmem:$0x4040];
	_ =	sdelay $0x7  }
0x5c: {  	[tilespmem:v1+s0+$0x0] =	vst.idx.add.f32.msk @!p0 $0xffff, v0  }
0x5d: {  	v1 =	vld @!p0 [tilespmem:$0x4050];
	_ =	sdelay $0x7  }
0x5e: {  	[tilespmem:v1+s0+$0x0] =	vst.idx.add.f32.msk @!p0 $0xffff, v0  }
0x5f: {  	v1 =	vld @!p0 [tilespmem:$0x4060];
	_ =	sdelay $0x7  }
0x60: {  	[tilespmem:v1+s0+$0x0] =	vst.idx.add.f32.msk @!p0 $0xffff, v0  }
0x61: {  	v1 =	vld @!p0 [tilespmem:$0x4070];
	_ =	sdelay $0x1  }
0x62: {  	s9 =	sadd.s32 $0x10, s9  }
0x63: {  	p4 =	sne.s32 s9, $0x9C0  }
.Ltmp0:
0x64: {  	_ = 	snop;
	(pc) =	sbr.rel @p4 .LBB2_2-.Ltmp0, $2  }
0x65: {  	_ =	sdelay $0x2  }
0x66: {  	s14 =	sadd.s32 $0x800, s14;
	[tilespmem:v1+s0+$0x0] =	vst.idx.add.f32.msk @!p0 $0xffff, v0  }
0x67: {  	s0 =	rddreg [dreg:$0x8]  }
0x68: {  	[tilespmem:s31], [sflag:$0x1] =	stream.linear.gather [hbm4b:s0+s5], $0x20, $0x38;
	[tilespmem:$0x1AC00] =	vst v63  }
0x69: {  	_ =	swait.ge [sflag:s28], $0x20  }
0x6a: {  	[sflag:s28] =	ssyncset.done $0x0  }
0x6b: {  	s10 =	rddreg [dreg:$0x9];
	[sflag:s28] =	ssyncadd.s32 $0xFFFFFFE0  }
0x6c: {  	[tilespmem:s5], [sflag:$0x1] =	stream.linear.gather [hbm4b:s10+s5], $0x1000, $0x38;
	[tilespmem:$0x1AC00] =	vst v63  }
0x6d: {  	_ =	swait.ge [sflag:s28], $0x1000  }
0x6e: {  	[sflag:s28] =	ssyncset.done $0x0  }
0x6f: {  	s11 =	simm.s32 $0x20;
	[sflag:s28] =	ssyncadd.s32 $0xFFFFF000  }
0x70: {  	[spmem:s3] =	stream.indirect.scatter.add.f32 [tilespmem:s5], [sflag:$0x1], $0x80, s31, s11, $0xb8;
	[tilespmem:$0x1AC00] =	vst v63  }
0x71: {  	_ =	swait.ge [sflag:s28], $0x1000  }
0x72: {  	[sflag:s28] =	ssyncset.done $0x0  }
0x73: {  	[sflag:s28] =	ssyncadd.s32 $0xFFFFF000  }
0x74: {  	v1 =	vld @!p0 [tilespmem:$0x4080];
	_ =	sdelay $0x6  }
0x75: {  	s0 =	simm.s32 @!p0 $0x4100  }
0x76: {  	[tilespmem:v1+s0+$0x0] =	vst.idx.add.f32.msk @!p0 $0xffff, v0  }
0x77: {  	v1 =	vld @!p0 [tilespmem:$0x4090];
	_ =	sdelay $0x7  }
0x78: {  	s9 =	simm.s32 @!p0 $0x50;
	s10 =	simm.s32 @!p0 $0x6900;
	[tilespmem:v1+s0+$0x0] =	vst.idx.add.f32.msk @!p0 $0xffff, v0  }
0x79: {  	[spmem:s4] =	stream.indirect.scatter.add.f32 @!p0 [tilespmem:s0], [sflag:$0x1], $0x80, s10, s9, $0xb8;
	[tilespmem:$0x1AC00] =	vst v63  }
0x7a: {  	s0 =	simm.s32 @!p0 $0x1  }
0x7b: {  	_ =	swait.ge @!p0 [sflag:s0], $0x2800  }
0x7c: {  	[sflag:s0] =	ssyncset.done @!p0 $0x0  }
0x7d: {  	[sflag:s0] =	ssyncadd.s32 @!p0 $0xFFFFD800  }
0x7e: {  	[bflag:$0x0] =	sbarrier.arrive $0xFFFF  }
0x7f: {  	[tilespmem:s5], [sflag:$0x2] =	stream.linear.gather [spmem:s8], $0x4000, $0x38;
	[tilespmem:$0x1AC00] =	vst v63  }
0x80: {  	_ =	swait.ge [sflag:s6], $0x4000  }
0x81: {  	s0 =	simm.s32 $0x2;
	[sflag:s6] =	ssyncset.done $0x0  }
0x82: {  	s0 =	simm.s32 @!p2 $0x1;
	[sflag:s6] =	ssyncadd.s32 $0xFFFFC000  }
0x83: {  	[hbm4b:s16+s5] =	stream.linear.scatter [tilespmem:s5], [sflag:s0], $0x4000, $0x38;
	[tilespmem:$0x1AC00] =	vst v63  }
0x84: {  	_ =	swait.ge [sflag:s0], $0x4000  }
0x85: {  	[sflag:s0] =	ssyncset.done $0x0  }
0x86: {  	[sflag:s0] =	ssyncadd.s32 $0xFFFFC000  }
0x87: {  	[tilespmem:s5], [sflag:$0x2] =	stream.linear.gather [spmem:s22], $0x4000, $0x38;
	[tilespmem:$0x1AC00] =	vst v63  }
0x88: {  	_ =	swait.ge [sflag:s6], $0x4000  }
0x89: {  	[sflag:s6] =	ssyncset.done $0x0  }
0x8a: {  	[sflag:s6] =	ssyncadd.s32 $0xFFFFC000  }
0x8b: {  	[hbm4b:s17+s5] =	stream.linear.scatter [tilespmem:s5], [sflag:s0], $0x4000, $0x38;
	[tilespmem:$0x1AC00] =	vst v63  }
0x8c: {  	_ =	swait.ge [sflag:s0], $0x4000  }
0x8d: {  	[sflag:s0] =	ssyncset.done $0x0  }
0x8e: {  	[sflag:s0] =	ssyncadd.s32 $0xFFFFC000  }
0x8f: {  	[tilespmem:s5], [sflag:$0x2] =	stream.linear.gather [spmem:s23], $0x4000, $0x38;
	[tilespmem:$0x1AC00] =	vst v63  }
0x90: {  	_ =	swait.ge [sflag:s6], $0x4000  }
0x91: {  	[sflag:s6] =	ssyncset.done $0x0  }
0x92: {  	[sflag:s6] =	ssyncadd.s32 $0xFFFFC000  }
0x93: {  	[hbm4b:s18+s5] =	stream.linear.scatter [tilespmem:s5], [sflag:s0], $0x4000, $0x38;
	[tilespmem:$0x1AC00] =	vst v63  }
0x94: {  	_ =	swait.ge [sflag:s0], $0x4000  }
0x95: {  	[sflag:s0] =	ssyncset.done $0x0  }
0x96: {  	[sflag:s0] =	ssyncadd.s32 $0xFFFFC000  }
0x97: {  	[tilespmem:s5], [sflag:$0x2] =	stream.linear.gather [spmem:s24], $0x4000, $0x38;
	[tilespmem:$0x1AC00] =	vst v63  }
0x98: {  	_ =	swait.ge [sflag:s6], $0x4000  }
0x99: {  	[sflag:s6] =	ssyncset.done $0x0  }
0x9a: {  	[sflag:s6] =	ssyncadd.s32 $0xFFFFC000  }
0x9b: {  	[hbm4b:s19+s5] =	stream.linear.scatter [tilespmem:s5], [sflag:s0], $0x4000, $0x38;
	[tilespmem:$0x1AC00] =	vst v63  }
0x9c: {  	_ =	swait.ge [sflag:s0], $0x4000  }
0x9d: {  	[sflag:s0] =	ssyncset.done $0x0  }
0x9e: {  	[sflag:s0] =	ssyncadd.s32 $0xFFFFC000  }
0x9f: {  	[tilespmem:s5], [sflag:$0x2] =	stream.linear.gather [spmem:s25], $0x4000, $0x38;
	[tilespmem:$0x1AC00] =	vst v63  }
0xa0: {  	_ =	swait.ge [sflag:s6], $0x4000  }
0xa1: {  	[sflag:s6] =	ssyncset.done $0x0  }
0xa2: {  	[sflag:s6] =	ssyncadd.s32 $0xFFFFC000  }
0xa3: {  	[hbm4b:s20+s5] =	stream.linear.scatter [tilespmem:s5], [sflag:s0], $0x4000, $0x38;
	[tilespmem:$0x1AC00] =	vst v63  }
0xa4: {  	_ =	swait.ge [sflag:s0], $0x4000  }
0xa5: {  	[sflag:s0] =	ssyncset.done $0x0  }
0xa6: {  	s9 =	simm.s32 @!p1 $0x1;
	[sflag:s0] =	ssyncadd.s32 $0xFFFFC000;
	s0 =	simm.s32 @!p1 $0x0  }
0xa7: {  	[tilespmem:s0], [sflag:$0x1] =	stream.linear.gather @!p1 [spmem:s4], $0x2800, $0x38;
	[tilespmem:$0x1AC00] =	vst v63  }
0xa8: {  	_ =	swait.ge @!p1 [sflag:s9], $0x2800  }
0xa9: {  	[sflag:s9] =	ssyncset.done @!p1 $0x0  }
0xaa: {  	s10 =	rddreg [dreg:$0x7];
	[sflag:s9] =	ssyncadd.s32 @!p1 $0xFFFFD800  }
0xab: {  	[hbm4b:s10+s0] =	stream.linear.scatter @!p1 [tilespmem:s0], [sflag:$0x1], $0x2800, $0x38;
	[tilespmem:$0x1AC00] =	vst v63  }
0xac: {  	_ =	swait.ge @!p1 [sflag:s9], $0x2800  }
0xad: {  	s2 =	sadd.s32 $0x1, s2;
	s14 =	rddreg [dreg:$0xa]  }
0xae: {  	p4 =	sne.s32 s2, s14  }
.Ltmp1:
0xaf: {  	_ = 	snop;
	(pc) =	sbr.rel @p4 .LBB2_1-.Ltmp1, $3  }
0xb0: {  	_ =	sdelay $0x1  }
0xb1: {  	[sflag:s9] =	ssyncset.done @!p1 $0x0  }
0xb2: {  	[sflag:s9] =	ssyncadd.s32 @!p1 $0xFFFFD800  }
0xb3: {  	_ =	sfence.sel $0x180000  }
0xb4: {  	[bflag:$0x0] =	sbarrier.arrive $0xFFFF  }
0xb5: {  	_ =	strace $0x9000004A  }
0xb6: {  	s0 =	stileid.u32;
	[bflag:$0x2] =	sbarrier.arrive $0xFFFF  }
0xb7: {  	p0 =	sne.s32 s0, $0x0;
	s0 =	rddreg [dreg:$0x6]  }
0xb8: {  	s0 =	sadd.s32 @!p0 $0x100000, s0  }
0xb9: {  	[sflag:s0] =	ssyncadd.tile.s32 @!p0 $0x1;
	_ =	shalt  }
.Lfunc_end2:
_tile_overlayer_lowered:
.L_overlay_start_2:
0xba: {  	(tag) =	ssettag $0x2  }
0xbb: {  	s0 =	rddreg [dreg:$0x0];
	s2 =	stileid.u32  }
0xbc: {  	s1 =	rddreg [dreg:$0x1];
	p0 =	sne.s32 s2, $0x0  }
0xbd: {  	s3 =	rddreg [dreg:$0x2];
	[bflag:$0x3] =	sbarrier.arrive $0xFFFF;
	s2 =	simm.s32 @!p0 $0x1C01  }
0xbe: {  	[timem:s3], [sflag:s2] =	dma.local @!p0 [hbm:s0], s1  }
0xbf: {  	s0 =	simm.s32 @!p0 $0x1  }
0xc0: {  	_ =	swait.ge @!p0 [sflag:s0], s1  }
0xc1: {  	s1 =	ssub.s32 @!p0 $0x0, s1;
	[sflag:s0] =	ssyncset.done @!p0 $0x0  }
0xc2: {  	[sflag:s0] =	ssyncadd.s32 @!p0 s1  }
0xc3: {  	[bflag:$0x3] =	sbarrier.arrive $0xFFFF  }
0xc4: {  	_ =	shalt  }

// kernel: kernel.8.cloned.1.call-start
scs
__scs_entry_jumppad:
0x0: {  	(pc) =	sbr.rel $0x88, $3  }
0x1: {  	(tag) =	ssettag $0x0;
	lr =	simm.s32 $0x1  }
0x2: {  	[smem:$0x3F8A] =	sst lr;
	_ =	strace $0xD0000000  }
0x3: {  	_ = 	snop  }
0x4: {  	_ = 	snop  }
0x5: {  	_ = 	snop  }
0x6: {  	_ = 	snop  }
0x7: {  	_ = 	snop  }
__scs_overlays_trampoline_lowered:
0x8: {  	[smem:$0x3F99] =	sst s0  }
0x9: {  	[smem:$0x3F9A] =	sst s1  }
0xa: {  	[smem:$0x3F9B] =	sst s2  }
0xb: {  	[smem:$0x3F9C] =	sst s3  }
0xc: {  	[smem:$0x3F9D] =	sst s4  }
0xd: {  	[smem:$0x3F9E] =	sst s5  }
0xe: {  	[smem:$0x3F9F] =	sst s6  }
0xf: {  	[smem:$0x3FA0] =	sst s7  }
0x10: {  	[smem:$0x3FA1] =	sst s8  }
0x11: {  	[smem:$0x3FA2] =	sst s9;
	s0 =	simm.s32 @!p0 $0x0  }
0x12: {  	s1 =	sld [smem:$0x3F88];
	s0 =	simm.s32 @p0 $0x1  }
0x13: {  	[smem:$0x3FA3] =	sst s0;
	s0 =	simm.s32 @!p1 $0x0  }
0x14: {  	s2 =	sld [smem:$0x3F87];
	s0 =	simm.s32 @p1 $0x1  }
0x15: {  	[smem:$0x3FA4] =	sst s0;
	s0 =	simm.s32 @!p2 $0x0  }
0x16: {  	s3 =	sld [smem:$0x3FDB];
	s0 =	simm.s32 @p2 $0x1  }
0x17: {  	s4 =	simm.s32 $0x1BF5;
	[smem:$0x3FA6] =	sst s0  }
0x18: {  	s0 =	sld [smem:$0x3F89];
	_ =	swait.ge [sflag:s4], $0x0  }
0x19: {  	s7 =	sld [smem:$0x3F8A]  }
0x1a: {  	s8 =	sadd.s32 $0xFFFFE003, lr  }
0x1b: {  	s9 =	sadd.s32 $0xFFFFFEF7, lr;
	s5 =	simm.s32 $0xFFFFFFFF;
	p2 =	slt.u32 s8, $0xFFFFF086  }
0x1c: {  	p1 =	slt.u32 s9, $0xF7A;
	s5 =	simm.s32 @!p2 $0x0  }
0x1d: {  	s5 =	simm.s32 @p1 $0x1;
	p0 =	seq.s32 s7, s2  }
0x1e: {  	s7 =	smul.u32 @!p0 $0xF7A, s2;
	p2 =	seq.s32 @!p0 s5, $0x0  }
0x1f: {  	s9 =	smul.u32 $0xF7A, s1;
	s8 =	simm.s32 @!p0 $0x1BF5;
	p2 =	por !p2, p0  }
0x20: {  	[sflag:s8] =	ssyncset.s32 @!p0 $0xFFFFF086;
	s6 =	sadd.s32 @!p0 s3, s7;
	s7 =	simm.s32 @!p0 $0x108  }
0x21: {  	s3 =	sadd.s32 s3, s9;
	s6 =	sadd.s32 @!p0 $0x88, s6;
	s7 =	simm.s32 @p2 $0x1082  }
0x22: {  	[simem:s7], [sflag:s8] =	dma.local @!p0 [hbm:s6], $0xF7A  }
0x23: {  	s9 =	sor.u32 $0xD0000000, s2;
	s6 =	simm.s32 $0x108;
	_ =	swait.ge @!p0 [sflag:s8], $0x0  }
0x24: {  	s3 =	sadd.s32 $0x88, s3;
	s6 =	simm.s32 @!p1 $0x1082;
	[sflag:s4] =	ssyncset.s32 $0xFFFFF086  }
0x25: {  	[simem:s6], [sflag:s4] =	dma.local [hbm:s3], $0xF7A  }
0x26: {  	[smem:$0x3F8A] =	sst s1;
	(tag) =	ssettag s2;
	_ =	strace s9  }
0x27: {  	s1 =	sld [smem:$0x3F9A]  }
0x28: {  	s2 =	sld [smem:$0x3F9B]  }
0x29: {  	s4 =	sld [smem:$0x3F9D]  }
0x2a: {  	p0 =	seq.s32 s5, $0x0;
	s5 =	sld [smem:$0x3F9E]  }
0x2b: {  	s6 =	sld [smem:$0x3F9F]  }
0x2c: {  	s7 =	sld [smem:$0x3FA0]  }
0x2d: {  	s3 =	simm.s32 $0x108;
	s8 =	sld [smem:$0x3FA1]  }
0x2e: {  	s3 =	simm.s32 @!p0 $0x1082;
	s9 =	sld [smem:$0x3FA2]  }
0x2f: {  	lr =	sadd.s32 s0, s3;
	s0 =	sld [smem:$0x3F99]  }
0x30: {  	s3 =	sld [smem:$0x3F9C]  }
0x31: {  	[smem:$0x3FA5] =	sst s10  }
0x32: {  	s10 =	sld [smem:$0x3FA3];
	_ =	sdelay $0x3  }
0x33: {  	p0 =	seq.s32 s10, $0x1;
	s10 =	sld [smem:$0x3FA5];
	_ =	sdelay $0x3  }
0x34: {  	[smem:$0x3FA5] =	sst s10  }
0x35: {  	s10 =	sld [smem:$0x3FA4];
	_ =	sdelay $0x3  }
0x36: {  	p1 =	seq.s32 s10, $0x1;
	s10 =	sld [smem:$0x3FA5];
	_ =	sdelay $0x3  }
0x37: {  	[smem:$0x3FA5] =	sst s10  }
0x38: {  	s10 =	sld [smem:$0x3FA6]  }
0x39: {  	_ = 	snop;
	(pc) =	sbr.ind lr, $3  }
0x3a: {  	_ = 	snop  }
0x3b: {  	_ = 	snop  }
0x3c: {  	p2 =	seq.s32 s10, $0x1;
	s10 =	sld [smem:$0x3FA5]  }
0x3d: {  	_ =	shalt  }
0x3e: {  	_ =	shalt  }
0x3f: {  	_ =	shalt  }
0x40: {  	_ =	shalt  }
0x41: {  	_ =	shalt  }
0x42: {  	_ =	shalt  }
0x43: {  	_ =	shalt  }
0x44: {  	_ =	shalt  }
0x45: {  	_ =	shalt  }
0x46: {  	_ =	shalt  }
0x47: {  	_ =	shalt  }
0x48: {  	_ =	shalt  }
0x49: {  	_ =	shalt  }
0x4a: {  	_ =	shalt  }
0x4b: {  	_ =	shalt  }
0x4c: {  	_ =	shalt  }
0x4d: {  	_ =	shalt  }
0x4e: {  	_ =	shalt  }
0x4f: {  	_ =	shalt  }
0x50: {  	_ =	shalt  }
0x51: {  	_ =	shalt  }
0x52: {  	_ =	shalt  }
0x53: {  	_ =	shalt  }
0x54: {  	_ =	shalt  }
0x55: {  	_ =	shalt  }
0x56: {  	_ =	shalt  }
0x57: {  	_ =	shalt  }
0x58: {  	_ =	shalt  }
0x59: {  	_ =	shalt  }
0x5a: {  	_ =	shalt  }
0x5b: {  	_ =	shalt  }
0x5c: {  	_ =	shalt  }
0x5d: {  	_ =	shalt  }
0x5e: {  	_ =	shalt  }
0x5f: {  	_ =	shalt  }
0x60: {  	_ =	shalt  }
0x61: {  	_ =	shalt  }
0x62: {  	_ =	shalt  }
0x63: {  	_ =	shalt  }
0x64: {  	_ =	shalt  }
0x65: {  	_ =	shalt  }
0x66: {  	_ =	shalt  }
0x67: {  	_ =	shalt  }
0x68: {  	_ =	shalt  }
0x69: {  	_ =	shalt  }
0x6a: {  	_ =	shalt  }
0x6b: {  	_ =	shalt  }
0x6c: {  	_ =	shalt  }
0x6d: {  	_ =	shalt  }
0x6e: {  	_ =	shalt  }
0x6f: {  	_ =	shalt  }
0x70: {  	_ =	shalt  }
0x71: {  	_ =	shalt  }
0x72: {  	_ =	shalt  }
0x73: {  	_ =	shalt  }
0x74: {  	_ =	shalt  }
0x75: {  	_ =	shalt  }
0x76: {  	_ =	shalt  }
0x77: {  	_ =	shalt  }
0x78: {  	_ =	shalt  }
0x79: {  	_ =	shalt  }
0x7a: {  	_ =	shalt  }
0x7b: {  	_ =	shalt  }
0x7c: {  	_ =	shalt  }
0x7d: {  	_ =	shalt  }
0x7e: {  	_ =	shalt  }
0x7f: {  	_ =	shalt  }
0x80: {  	_ =	shalt  }
0x81: {  	_ =	shalt  }
0x82: {  	_ =	shalt  }
0x83: {  	_ =	shalt  }
0x84: {  	_ =	shalt  }
0x85: {  	_ =	shalt  }
0x86: {  	_ =	shalt  }
0x87: {  	_ =	shalt  }
.Lfunc_end0:
.L_simem_size_0:
called_computation_lowered:
.L_overlay_start_0:
0x88: {  	s2 =	sld [smem:$0x3FD9]  }
0x89: {  	s3 =	sld [smem:$0x3FFE];
	_ =	sdelay $0x1  }
0x8a: {  	s1 =	srdreg.scid  }
0x8b: {  	s0 =	sand.u32 $0x1, s1  }
0x8c: {  	s14 =	sshll.u32 s0, $0xA;
	s2 =	sadd.s32 s3, s2  }
0x8d: {  	s2 =	sadd.s32 s2, s14  }
0x8e: {  	[smem:$0x3FB1] =	sst s2  }
0x8f: {  	_ = 	snop  }
0x90: {  	s2 =	sld [smem:$0x3FD0];
	_ =	sdelay $0x2  }
0x91: {  	s15 =	simm.s32 $0xA;
	s4 =	simm.s32 $0x10  }
0x92: {  	[smem:s4], [sflag:s15] =	dma.local [hbm:s2], $0x1  }
0x93: {  	_ =	swait.eq [sflag:s15], $0x1  }
0x94: {  	[sflag:s15] =	ssyncset.done $0x0  }
0x95: {  	s16 =	sld [smem:$0x10];
	[sflag:s15] =	ssyncadd.s32 $0xFFFFFFFF  }
0x96: {  	s17 =	sld [smem:$0x11];
	(tm) =	ssettm $0x1  }
0x97: {  	s18 =	sld [smem:$0x3FFB];
	_ =	sdelay $0x3  }
0x98: {  	_ =	strace s18  }
0x99: {  	s4 =	sld [smem:$0x3FFC];
	_ =	sdelay $0x3  }
0x9a: {  	_ =	strace s4  }
0x9b: {  	s4 =	sld [smem:$0x3FFD];
	_ =	sdelay $0x3  }
0x9c: {  	_ =	strace s4  }
0x9d: {  	_ =	strace $0x8FFFFFFF  }
0x9e: {  	s19 =	sld [smem:$0x3FDB];
	_ =	sdelay $0x1  }
0x9f: {  	s5 =	simm.s32 $_scs_section_size  }
0xa0: {  	s6 =	simm.s32 $_size__tile_overlayer_lowered;
	s7 =	simm.s32 $_tile_overlayer_lowered  }
0xa1: {  	s22 =	simm.s32 $0x1BFF;
	s21 =	sshll.u32 s7, $0x1;
	s4 =	sadd.s32 s5, s19  }
0xa2: {  	s8 =	simm.s32 $0x0;
	s20 =	sshll.u32 s6, $0x1;
	s6 =	sadd.s32 s21, s4  }
0xa3: {  	[timem:s8], [sflag:s22] =	dma.local [hbm:s6], s20  }
0xa4: {  	_ =	swait.ge [sflag:s22], s20  }
0xa5: {  	s5 =	ssub.s32 $0x0, s20;
	[sflag:s22] =	ssyncset.done $0x0  }
0xa6: {  	[sflag:s22] =	ssyncadd.s32 s5;
	_ =	sdelay $0x1  }
0xa7: {  	s23 =	simm.s32 $0x1B8B  }
0xa8: {  	_ =	swait.ge [sflag:s23], $0x1  }
0xa9: {  	[sflag:s23] =	ssyncset.done $0x0  }
0xaa: {  	s25 =	simm.s32 $0x1B8E;
	s24 =	sld [smem:$0x3FFE];
	[sflag:s23] =	ssyncadd.s32 $0xFFFFFFFF  }
0xab: {  	s26 =	simm.s32 $execute0_lowered;
	[smem:$0x3FD2] =	sst s25  }
0xac: {  	s6 =	sshll.u32 s26, $0x1;
	_ =	strace $0x80000046;
	[dreg:$0x1] =	wrdreg $0xFFFFFFFF  }
0xad: {  	s28 =	simm.s32 $_size_execute0_lowered;
	s4 =	sadd.s32 s4, s6;
	[dreg:$0x0] =	wrdreg $0x0  }
0xae: {  	s6 =	sshll.u32 s28, $0x1;
	[dreg:$0x2] =	wrdreg s4  }
0xaf: {  	[dreg:$0x3] =	wrdreg s6  }
0xb0: {  	[dreg:$0x4] =	wrdreg $0xC0  }
0xb1: {  	_ =	task [dreg:s8], $0x5FFFF  }
0xb2: {  	[dreg:$0x1] =	wrdreg $0xFFFFFFFF  }
0xb3: {  	[dreg:$0x0] =	wrdreg $0x60  }
0xb4: {  	[dreg:$0x2] =	wrdreg s17  }
0xb5: {  	[dreg:$0x3] =	wrdreg s16  }
0xb6: {  	[dreg:$0x4] =	wrdreg s24  }
0xb7: {  	[dreg:$0x5] =	wrdreg $0x9  }
0xb8: {  	_ =	task.clear_ibuf [dreg:s8], $0x6FFFF;
	_ =	strace $0x90000046  }
0xb9: {  	s29 =	simm.s32 $0x9;
	_ =	strace $0x80000048  }
0xba: {  	_ =	swait.ge [sflag:s29], $0x1  }
0xbb: {  	[sflag:s29] =	ssyncadd.s32 $0xFFFFFFFF  }
0xbc: {  	_ =	strace $0x90000048  }
0xbd: {  	_ =	sfence  }
0xbe: {  	s30 =	sld [smem:$0x0];
	_ =	sdelay $0x2  }
0xbf: {  	s31 =	sshll.u32 s1, $0xD;
	s1 =	sshrl.u32 s1, $0x2  }
0xc0: {  	s3 =	sand.u32 $0x4000, s31;
	s1 =	sadd.s32 s1, s30  }
0xc1: {  	s0 =	sor.u32 s3, s0;
	s1 =	sshll.u32 s1, $0x11  }
0xc2: {  	s0 =	sor.u32 s1, s0  }
0xc3: {  	s0 =	sadd.s32 $0x8F2B, s0  }
0xc4: {  	[sflag:s0] =	ssyncadd.remote.s32 $0x1  }
0xc5: {  	_ =	sfence.sel $0xFFFF  }
0xc6: {  	[dreg:$0x0] =	wrdreg $0xFFFFFFFF;
	(pc) =	sbr.abs _section_cstart, $3  }
0xc7: {  	[dreg:$0x1] =	wrdreg $0xFFFFFFFF  }
0xc8: {  	_ =	task.clear_ibuf [dreg:s8], $0x2FFFF;
	_ =	strace $0x9FFFFFFF  }
0xc9: {  	(tm) =	ssettm $0x7FFFFFFF  }
tec
execute0_lowered:
.L_overlay_start_1:
0x0: {  	(tag) =	ssettag $0x1  }
0x1: {  	s1 =	rddreg [dreg:$0x0]  }
0x2: {  	s3 =	rddreg [dreg:$0x1]  }
0x3: {  	s5 =	rddreg [dreg:$0x2]  }
0x4: {  	s0 =	rddreg [dreg:$0x3]  }
0x5: {  	s6 =	srdreg.scid;
	s2 =	stileid.u32;
	s4 =	simm.s32 $0x0  }
0x6: {  	s12 =	sand.u32 $0x1, s6;
	s8 =	smul.u32 $0x4E20, s2;
	[smem:$0x7FF] =	sst s4  }
0x7: {  	s11 =	sadd.s32 $0x2E000, s5;
	s14 =	sadd.s32 $0x54BC00, s5;
	s16 =	smul.u32 $0x4E200, s2  }
0x8: {  	s10 =	sadd.s32 $0x69C00, s5;
	s9 =	smul.u32 $0x4E200, s12;
	_ =	strace $0x80000047  }
0x9: {  	s7 =	ssub.s32 $0x2, s12;
	p0 =	seq.s32 s12, $0x1;
	s15 =	smov.u32 s10  }
0xa: {  	s28 =	sadd.s32 $0x4E00, s8;
	s29 =	sshrl.u32 s7, $0x1;
	s15 =	smov.u32 @p0 s14  }
0xb: {  	s13 =	sadd.s32 s9, s28;
	s7 =	ssub.s32 s7, s29;
	s30 =	sshll.u32 s28, $0x4  }
0xc: {  	s17 =	sadd.s32 s8, s9;
	s9 =	sadd.s32 s16, s10;
	s10 =	sadd.s32 s16, s14  }
0xd: {  	s14 =	simm.s32 $0x4080;
	s16 =	simm.s32 $0x20;
	s13 =	sshrl.u32 s13, $0x3  }
0xe: {  	s6 =	smax.u32 s7, $0x1;
	s7 =	smov.u32 s3;
	s8 =	sadd.s32 s15, s30  }
0xf: {  	s31 =	sshrl.u32 s17, $0x3;
	s15 =	simm.s32 $0x1;
	s17 =	simm.s32 $0x0  }
0x10: {  	s5 =	sadd.s32 s11, s13;
	s7 =	smov.u32 @p0 s1;
	s11 =	sadd.s32 s31, s11  }
0x11: {  	p0 =	sne.s32 s12, $0x0;
	s12 =	simm.s32 $0x4000;
	s13 =	simm.s32 $0x2  }
.LBB2_1:
0x12: {  	[tilespmem:s12], [sflag:$0x2] =	stream.linear.gather [hbm4b:s11+s4], $0x80, $0x38;
	[tilespmem:$0x4100] =	vst v63  }
0x13: {  	_ =	swait.ge [sflag:s13], $0x80  }
0x14: {  	s18 =	simm.s32 @p0 $0x0;
	s19 =	simm.s32 @p0 $0x2;
	[sflag:s13] =	ssyncset.done $0x0  }
0x15: {  	s20 =	simm.s32 @p0 $0x80;
	s21 =	simm.s32 @p0 $0x4000;
	[sflag:s13] =	ssyncadd.s32 $0xFFFFFF80  }
0x16: {  	[tilespmem:s18], [sflag:$0x2] =	stream.indirect.gather @p0 [hbm4b:s1+s20], $0x80, s21, s20, $0xb8;
	[tilespmem:$0x4100] =	vst v63  }
0x17: {  	_ =	swait.ge @p0 [sflag:s19], $0x4000  }
0x18: {  	[sflag:s19] =	ssyncset.done @p0 $0x0  }
0x19: {  	s23 =	sadd.s32 @p0 $0x0, s10;
	s22 =	simm.s32 @p0 $0x1;
	[sflag:s19] =	ssyncadd.s32 @p0 $0xFFFFC000  }
0x1a: {  	[hbm4b:s23+s18] =	stream.linear.scatter @p0 [tilespmem:s18], [sflag:$0x1], $0x4000, $0x38;
	[tilespmem:$0x4100] =	vst v63  }
0x1b: {  	_ =	swait.ge @p0 [sflag:s22], $0x4000  }
0x1c: {  	s24 =	simm.s32 @!p0 $0x0;
	s25 =	simm.s32 @!p0 $0x80;
	[sflag:s22] =	ssyncset.done @p0 $0x0  }
0x1d: {  	s26 =	simm.s32 @!p0 $0x4000;
	s23 =	simm.s32 @!p0 $0x2;
	[sflag:s22] =	ssyncadd.s32 @p0 $0xFFFFC000  }
0x1e: {  	[tilespmem:s24], [sflag:$0x2] =	stream.indirect.gather @!p0 [hbm4b:s3+s25], $0x80, s26, s25, $0xb8;
	[tilespmem:$0x4100] =	vst v63  }
0x1f: {  	_ =	swait.ge @!p0 [sflag:s23], $0x4000  }
0x20: {  	[sflag:s23] =	ssyncset.done @!p0 $0x0  }
0x21: {  	s28 =	sadd.s32 @!p0 $0x0, s9;
	[sflag:s23] =	ssyncadd.s32 @!p0 $0xFFFFC000  }
0x22: {  	[hbm4b:s28+s24] =	stream.linear.scatter @!p0 [tilespmem:s24], [sflag:$0x2], $0x4000, $0x38;
	[tilespmem:$0x4100] =	vst v63  }
0x23: {  	_ =	swait.ge @!p0 [sflag:s23], $0x4000  }
0x24: {  	s29 =	smov.u32 s11;
	s28 =	simm.s32 $0x800;
	[sflag:s23] =	ssyncset.done @!p0 $0x0  }
.LBB2_2:
0x25: {  	[sflag:s23] =	ssyncadd.s32 @!p0 $0xFFFFC000  }
0x26: {  	s29 =	sadd.s32 $0x10, s29;
	s30 =	smov.u32 s28;
	s28 =	sadd.s32 $0x800, s28  }
0x27: {  	[tilespmem:s12], [sflag:$0x2] =	stream.linear.gather [hbm4b:s29+s4], $0x80, $0x38;
	[tilespmem:$0x4100] =	vst v63  }
0x28: {  	p1 =	sne.s32 s28, $0x4E000;
	_ =	swait.ge [sflag:s13], $0x80  }
0x29: {  	[sflag:s13] =	ssyncset.done $0x0  }
0x2a: {  	[sflag:s13] =	ssyncadd.s32 $0xFFFFFF80  }
0x2b: {  	[tilespmem:s18], [sflag:$0x2] =	stream.indirect.gather @p0 [hbm4b:s1+s20], $0x80, s21, s20, $0xb8;
	[tilespmem:$0x4100] =	vst v63  }
0x2c: {  	_ =	swait.ge @p0 [sflag:s19], $0x4000  }
0x2d: {  	[sflag:s19] =	ssyncset.done @p0 $0x0  }
0x2e: {  	s31 =	sadd.s32 @p0 s30, s10;
	[sflag:s19] =	ssyncadd.s32 @p0 $0xFFFFC000  }
0x2f: {  	[hbm4b:s31+s18] =	stream.linear.scatter @p0 [tilespmem:s18], [sflag:$0x1], $0x4000, $0x38;
	[tilespmem:$0x4100] =	vst v63  }
0x30: {  	_ =	swait.ge @p0 [sflag:s22], $0x4000  }
0x31: {  	[sflag:s22] =	ssyncset.done @p0 $0x0  }
0x32: {  	[sflag:s22] =	ssyncadd.s32 @p0 $0xFFFFC000  }
0x33: {  	[tilespmem:s24], [sflag:$0x2] =	stream.indirect.gather @!p0 [hbm4b:s3+s25], $0x80, s26, s25, $0xb8;
	[tilespmem:$0x4100] =	vst v63  }
0x34: {  	_ =	swait.ge @!p0 [sflag:s23], $0x4000  }
.Ltmp0:
0x35: {  	[sflag:s23] =	ssyncset.done @!p0 $0x0;
	(pc) =	sbr.rel @p1 .LBB2_2-.Ltmp0, $4  }
0x36: {  	s30 =	sadd.s32 @!p0 s30, s9;
	[sflag:s23] =	ssyncadd.s32 @!p0 $0xFFFFC000  }
0x37: {  	[hbm4b:s30+s24] =	stream.linear.scatter @!p0 [tilespmem:s24], [sflag:$0x2], $0x4000, $0x38;
	[tilespmem:$0x4100] =	vst v63  }
0x38: {  	_ =	swait.ge @!p0 [sflag:s23], $0x4000  }
0x39: {  	[sflag:s23] =	ssyncset.done @!p0 $0x0  }
0x3a: {  	[sflag:s23] =	ssyncadd.s32 @!p0 $0xFFFFC000  }
0x3b: {  	[tilespmem:s14], [sflag:$0x1] =	stream.linear.gather [hbm4b:s5+s4], $0x20, $0x38;
	[tilespmem:$0x4100] =	vst v63  }
0x3c: {  	_ =	swait.ge [sflag:s15], $0x20  }
0x3d: {  	[sflag:s15] =	ssyncset.done $0x0  }
0x3e: {  	[sflag:s15] =	ssyncadd.s32 $0xFFFFFFE0  }
0x3f: {  	[tilespmem:s4], [sflag:$0x1] =	stream.indirect.gather [hbm4b:s7+s16], $0x80, s14, s16, $0xb8;
	[tilespmem:$0x4100] =	vst v63  }
0x40: {  	s17 =	sadd.s32 $0x1, s17;
	_ =	swait.ge [sflag:s15], $0x1000  }
0x41: {  	p1 =	sne.s32 s17, s6;
	[sflag:s15] =	ssyncset.done $0x0  }
.Ltmp1:
0x42: {  	[sflag:s15] =	ssyncadd.s32 $0xFFFFF000;
	(pc) =	sbr.rel @p1 .LBB2_1-.Ltmp1, $4  }
0x43: {  	[hbm4b:s8+s4] =	stream.linear.scatter [tilespmem:s4], [sflag:$0x1], $0x1000, $0x38;
	[tilespmem:$0x4100] =	vst v63  }
0x44: {  	_ =	swait.ge [sflag:s15], $0x1000  }
0x45: {  	[sflag:s15] =	ssyncset.done $0x0  }
0x46: {  	[sflag:s15] =	ssyncadd.s32 $0xFFFFF000  }
0x47: {  	_ =	sfence.sel $0x180000  }
0x48: {  	[bflag:$0x0] =	sbarrier.arrive $0xFFFF  }
0x49: {  	p0 =	sne.s32 s2, $0x0;
	_ =	strace $0x90000047  }
0x4a: {  	s0 =	sadd.s32 @!p0 $0x100000, s0;
	[bflag:$0x2] =	sbarrier.arrive $0xFFFF  }
0x4b: {  	[sflag:s0] =	ssyncadd.tile.s32 @!p0 $0x1;
	_ =	shalt  }
.Lfunc_end2:
_tile_overlayer_lowered:
.L_overlay_start_2:
0x4c: {  	(tag) =	ssettag $0x2  }
0x4d: {  	s0 =	rddreg [dreg:$0x0];
	s2 =	stileid.u32  }
0x4e: {  	s1 =	rddreg [dreg:$0x1];
	p0 =	sne.s32 s2, $0x0  }
0x4f: {  	s3 =	rddreg [dreg:$0x2];
	[bflag:$0x3] =	sbarrier.arrive $0xFFFF;
	s2 =	simm.s32 @!p0 $0x1C01  }
0x50: {  	[timem:s3], [sflag:s2] =	dma.local @!p0 [hbm:s0], s1  }
0x51: {  	s0 =	simm.s32 @!p0 $0x1  }
0x52: {  	_ =	swait.ge @!p0 [sflag:s0], s1  }
0x53: {  	s1 =	ssub.s32 @!p0 $0x0, s1;
	[sflag:s0] =	ssyncset.done @!p0 $0x0  }
0x54: {  	[sflag:s0] =	ssyncadd.s32 @!p0 s1  }
0x55: {  	[bflag:$0x3] =	sbarrier.arrive $0xFFFF  }
0x56: {  	_ =	shalt  }

</sc_bundles>
